<compile_context>
chip_gen: v7x
topology: tpu7x:2x2x1
jax: 0.10.2.dev20260603
libtpu: 0.0.44.dev20260713+nightly
codegen_flags: <defaults>
</compile_context>

<pallas_src>
import functools

import jax
import jax.numpy as jnp
from jax import lax
from jax.experimental import pallas as pl
from jax.experimental.pallas import tpu as pltpu
from jax.experimental.pallas import tpu_sc as plsc

N_NODES = 10000
D_FEAT = 128
HIDDEN = 32
N_GRAPHS = 64
N_EDGES = 320000

NC = 2
NS = 16
NW = NC * NS
LANES = 16

BATCH_SZ = 128
N_BATCH = N_EDGES // BATCH_SZ
NBUF = 4
G_LO = N_BATCH // NBUF // NW
HI_W = N_BATCH // NBUF - G_LO * NW
NBMAX = (G_LO + 1) * NBUF
ROWS_PAD = 10112
RPS = ROWS_PAD // NS


def _xw_body(x_ref, w_ref, o_ref):
    o_ref[pl.ds(0, N_NODES)] = jnp.dot(
        x_ref[...], w_ref[...], preferred_element_type=jnp.float32
    )


def _tc_xw(x, W1):
    return pl.pallas_call(
        _xw_body,
        out_shape=jax.ShapeDtypeStruct((ROWS_PAD, HIDDEN), jnp.float32),
    )(x, W1)


def _sc_scatter(xa, em):
    mesh = plsc.VectorSubcoreMesh(
        core_axis_name="c", subcore_axis_name="s", num_cores=NC, num_subcores=NS
    )

    @functools.partial(
        pl.kernel,
        out_type=jax.ShapeDtypeStruct((NC, ROWS_PAD, HIDDEN), jnp.float32),
        mesh=mesh,
        scratch_types=[
            pltpu.VMEM((NBMAX, BATCH_SZ), jnp.int32),
            pltpu.VMEM((NBMAX, BATCH_SZ), jnp.int32),
            pltpu.VMEM((NBUF, BATCH_SZ, HIDDEN), jnp.float32),
            pltpu.VMEM((RPS, HIDDEN), jnp.float32),
            pltpu.VMEM_SHARED((ROWS_PAD, HIDDEN), jnp.float32),
            pltpu.VMEM_SHARED((ROWS_PAD, HIDDEN), jnp.float32),
            pltpu.SemaphoreType.DMA,
            pltpu.SemaphoreType.DMA,
            pltpu.SemaphoreType.DMA,
            pltpu.SemaphoreType.DMA,
        ],
        compiler_params=pltpu.CompilerParams(use_tc_tiling_on_sc=False),
    )
    def k(xa_hbm, em_hbm, out_hbm, srcbuf, dstbuf, rows, zbuf, aggsh,
          xash, sem0, sem1, sem2, sem3):
        gsems = (sem0, sem1, sem2, sem3)
        c = lax.axis_index("c")
        s = lax.axis_index("s")
        wid = s * NC + c
        base_b = NBUF * (G_LO * wid + jnp.minimum(wid, HI_W))
        nb = jnp.where(wid < HI_W, NBMAX, NBMAX - NBUF)

        def zrow(r, carry):
            z = jnp.zeros((LANES,), jnp.float32)
            zbuf[r, pl.ds(0, LANES)] = z
            zbuf[r, pl.ds(LANES, LANES)] = z
            return carry

        lax.fori_loop(0, RPS, zrow, 0)
        pltpu.sync_copy(zbuf, aggsh.at[pl.ds(s * RPS, RPS)])

        pltpu.sync_copy(
            xa_hbm.at[pl.ds(s * RPS, RPS)], xash.at[pl.ds(s * RPS, RPS)]
        )

        nlo = NBMAX - NBUF
        pltpu.sync_copy(em_hbm.at[0, pl.ds(base_b, nlo)], srcbuf.at[pl.ds(0, nlo)])
        pltpu.sync_copy(em_hbm.at[1, pl.ds(base_b, nlo)], dstbuf.at[pl.ds(0, nlo)])

        @pl.when(wid < HI_W)
        def _stage_extra():
            pltpu.sync_copy(em_hbm.at[0, pl.ds(base_b + nlo, NBUF)],
                            srcbuf.at[pl.ds(nlo, NBUF)])
            pltpu.sync_copy(em_hbm.at[1, pl.ds(base_b + nlo, NBUF)],
                            dstbuf.at[pl.ds(nlo, NBUF)])

        plsc.subcore_barrier()

        def fire_gather(j, b):
            pltpu.async_copy(xash.at[srcbuf.at[j]], rows.at[b], gsems[b])

        def wait_gather(b):
            pltpu.make_async_copy(
                xash.at[srcbuf.at[0]], rows.at[b], gsems[b]
            ).wait()

        for b in range(NBUF):
            fire_gather(b, b)

        def group(g, carry):
            for b in range(NBUF):
                j = g * NBUF + b
                wait_gather(b)
                pltpu.sync_copy(rows.at[b], aggsh.at[dstbuf.at[j]], add=True)
                jn = jnp.minimum(j + NBUF, nb - 1)
                fire_gather(jn, b)
            return carry

        lax.fori_loop(0, nb // NBUF, group, 0)
        for b in range(NBUF):
            wait_gather(b)
        plsc.subcore_barrier()

        pltpu.sync_copy(
            aggsh.at[pl.ds(s * RPS, RPS)], out_hbm.at[c, pl.ds(s * RPS, RPS)]
        )

    return k(xa, em)


def _tail_body(xa_ref, part_ref, bt_ref, W2_ref, b2_ref, Wc_ref, bc_ref,
               b1_ref, o_ref):
    xa = xa_ref[pl.ds(0, N_NODES)]
    p0 = part_ref[0, pl.ds(0, N_NODES)]
    p1 = part_ref[1, pl.ds(0, N_NODES)]
    h1 = jnp.maximum(xa + p0 + p1 + b1_ref[...], 0.0)
    h = jnp.dot(h1, W2_ref[...], preferred_element_type=jnp.float32) + b2_ref[...]
    h = jnp.maximum(h, 0.0)
    gids = lax.broadcasted_iota(jnp.int32, (N_GRAPHS, N_NODES), 0)
    onehot_t = (gids == bt_ref[...]).astype(jnp.float32)
    sums = jnp.dot(onehot_t, h, preferred_element_type=jnp.float32)
    counts = jnp.sum(onehot_t, axis=1, keepdims=True)
    pooled = sums / jnp.maximum(counts, 1.0)
    o_ref[...] = (
        jnp.dot(pooled, Wc_ref[...], preferred_element_type=jnp.float32)
        + bc_ref[...]
    )


def _tc_tail(xa, part, batch_row, W2, b2, Wc, bc, b1):
    return pl.pallas_call(
        _tail_body,
        out_shape=jax.ShapeDtypeStruct((N_GRAPHS, 2), jnp.float32),
    )(xa, part, batch_row, W2, b2, Wc, bc, b1)


def kernel(x, edge_index, batch, W1, b1, W2, b2, Wc, bc):
    em = edge_index.astype(jnp.int32).reshape(2, N_BATCH, BATCH_SZ)
    xa = _tc_xw(x, W1)
    part = _sc_scatter(xa, em)
    batch_row = batch.astype(jnp.int32).reshape(1, N_NODES)
    return _tc_tail(
        xa, part, batch_row,
        W2, b2.reshape(1, HIDDEN), Wc, bc.reshape(1, 2), b1.reshape(1, HIDDEN),
    )

# --- scband reference (transcript-rebuilt; emitter-appended) ---
"""Pipeline reference for scband-eeggnn-6863357739128 (READ-ONLY COPY).

The authoritative reference and input builder live on the scoring server;
editing this copy changes nothing except your own understanding.
"""

import jax, jax.numpy as jnp
import numpy as np

N_NODES = 10000
N_EDGES = 320000
D_FEAT = 128
HIDDEN = 32
N_GRAPHS = 64


def setup_inputs(seed: int = 0) -> dict:
    key = jax.random.key(seed)
    ks = jax.random.split(key, 10)
    x = jax.random.normal(ks[0], (N_NODES, D_FEAT), dtype=jnp.float32)
    edge_index = jax.random.randint(ks[1], (2, N_EDGES), 0, N_NODES, dtype=jnp.int64)
    batch = jnp.sort(jax.random.randint(ks[2], (N_NODES,), 0, N_GRAPHS, dtype=jnp.int64))
    # GINConv MLP params: Linear(D_FEAT, HIDDEN) -> ReLU -> Linear(HIDDEN, HIDDEN)
    W1 = jax.random.normal(ks[3], (D_FEAT, HIDDEN), dtype=jnp.float32) * (1.0 / np.sqrt(D_FEAT))
    b1 = jnp.zeros((HIDDEN,), dtype=jnp.float32)
    W2 = jax.random.normal(ks[4], (HIDDEN, HIDDEN), dtype=jnp.float32) * (1.0 / np.sqrt(HIDDEN))
    b2 = jnp.zeros((HIDDEN,), dtype=jnp.float32)
    # classifier Linear(HIDDEN, 2)
    Wc = jax.random.normal(ks[5], (HIDDEN, 2), dtype=jnp.float32) * (1.0 / np.sqrt(HIDDEN))
    bc = jnp.zeros((2,), dtype=jnp.float32)
    return {"x": x, "edge_index": edge_index, "batch": batch,
            "W1": W1, "b1": b1, "W2": W2, "b2": b2, "Wc": Wc, "bc": bc}


def reference(x, edge_index, batch, W1, b1, W2, b2, Wc, bc):
    src = edge_index[0]
    dst = edge_index[1]
    # GINConv (eps=0, train_eps=False): h = MLP((1+eps)*x + sum_{j in N(i)} x_j)
    agg = jax.ops.segment_sum(jnp.take(x, src, axis=0), dst, num_segments=N_NODES)
    h = x + agg
    h = jnp.maximum(h @ W1 + b1, 0.0)
    h = h @ W2 + b2
    # F.relu after conv
    h = jnp.maximum(h, 0.0)
    # global_mean_pool over batch assignment
    sums = jax.ops.segment_sum(h, batch, num_segments=N_GRAPHS)
    counts = jax.ops.segment_sum(jnp.ones((N_NODES,), dtype=jnp.float32), batch, num_segments=N_GRAPHS)
    pooled = sums / jnp.clip(counts, 1.0, None)[:, None]
    # classifier
    out = pooled @ Wc + bc
    return out

if __name__ == "__main__":
    import jax
    _d = setup_inputs()
    print(jax.jit(kernel)(*tuple(_d.values())))

</pallas_src>

<mosaic_0001>
#map = affine_map<(d0, d1) -> (0, 0)>
#map1 = affine_map<(d0, d1) -> (0, 0, 0)>
module attributes {stable_mosaic.version = 14 : i64} {
  func.func @k(%arg0: i32, %arg1: i32, %arg2: memref<10112x32xf32, #tpu.memory_space<hbm>>, %arg3: memref<2x2500x128xi32, #tpu.memory_space<hbm>>, %arg4: memref<2x10112x32xf32, #tpu.memory_space<hbm>>, %arg5: memref<80x128xi32, #tpu.memory_space<vmem>>, %arg6: memref<80x128xi32, #tpu.memory_space<vmem>>, %arg7: memref<4x128x32xf32, #tpu.memory_space<vmem>>, %arg8: memref<632x32xf32, #tpu.memory_space<vmem>>, %arg9: memref<10112x32xf32, #tpu.memory_space<vmem_shared>>, %arg10: memref<10112x32xf32, #tpu.memory_space<vmem_shared>>, %arg11: memref<!tpu.dma_semaphore, #tpu.memory_space<semaphore_mem>>, %arg12: memref<!tpu.dma_semaphore, #tpu.memory_space<semaphore_mem>>, %arg13: memref<!tpu.dma_semaphore, #tpu.memory_space<semaphore_mem>>, %arg14: memref<!tpu.dma_semaphore, #tpu.memory_space<semaphore_mem>>) attributes {dimension_semantics = [#tpu.dimension_semantics<core_parallel>, #tpu.dimension_semantics<subcore_parallel>], iteration_bounds = array<i64: 2, 16>, scalar_prefetch = 0 : i64, scratch_operands = 10 : i64, tpu.core_type = #tpu.core_type<sc_vector_subcore>, window_params = [{transform_indices = #map}, {transform_indices = #map1}, {transform_indices = #map1}]} {
    %mul3A = arith.constant 2 : i32
    %mul3A_0 = arith.muli %arg1, %mul3A : i32
    %add3A = arith.addi %mul3A_0, %arg0 : i32
    %mul3A_1 = arith.constant 19 : i32
    %mul3A_2 = arith.muli %mul3A_1, %add3A : i32
    %min3A = arith.constant 17 : i32
    %min3A_3 = arith.minsi %add3A, %min3A : i32
    %add3A_4 = arith.addi %mul3A_2, %min3A_3 : i32
    %mul3A_5 = arith.constant 4 : i32
    %mul3A_6 = arith.muli %mul3A_5, %add3A_4 : i32
    %lt3A = arith.constant 17 : i32
    %lt3A_7 = arith.cmpi slt, %add3A, %lt3A : i32
    %jit3A = arith.constant 80 : i32
    %jit3A_8 = arith.constant 76 : i32
    %select_n3A = arith.select %lt3A_7, %jit3A, %jit3A_8 : i32
    %scan3A = arith.constant 0 : i32
    %scan3A_9 = arith.constant 0 : i32
    %scan3A_10 = arith.constant 632 : i32
    %scan3A_11 = arith.addi %scan3A_9, %scan3A_10 : i32
    %scan3A_12 = arith.constant 1 : i32
    scf.for %scan3A_150 = %scan3A_9 to %scan3A_11 step %scan3A_12  : i32 {
      %broadcast_in_dim3A = arith.constant 0.000000e+00 : f32
      %broadcast_in_dim3A_151 = vector.broadcast %broadcast_in_dim3A : f32 to vector<16xf32>
      %swap3A = arith.index_cast %scan3A_150 : i32 to index
      %swap3A_152 = arith.constant 0 : index
      %swap3A_153 = tpu.vector_load %arg8[%swap3A, %swap3A_152] {strides = array<i32>} : memref<632x32xf32, #tpu.memory_space<vmem>>, vector<1x16xf32>,
      %swap3A_154 = vector.shape_cast %swap3A_153 : vector<1x16xf32> to vector<16xf32>
      %swap3A_155 = vector.shape_cast %broadcast_in_dim3A_151 : vector<16xf32> to vector<1x16xf32>
      tpu.vector_store %arg8[%swap3A, %swap3A_152], %swap3A_155 {strides = array<i32>} : memref<632x32xf32, #tpu.memory_space<vmem>>, vector<1x16xf32>,
      %swap3A_156 = arith.index_cast %scan3A_150 : i32 to index
      %swap3A_157 = arith.constant 16 : index
      %swap3A_158 = tpu.vector_load %arg8[%swap3A_156, %swap3A_157] {strides = array<i32>} : memref<632x32xf32, #tpu.memory_space<vmem>>, vector<1x16xf32>,
      %swap3A_159 = vector.shape_cast %swap3A_158 : vector<1x16xf32> to vector<16xf32>
      %swap3A_160 = vector.shape_cast %broadcast_in_dim3A_151 : vector<16xf32> to vector<1x16xf32>
      tpu.vector_store %arg8[%swap3A_156, %swap3A_157], %swap3A_160 {strides = array<i32>} : memref<632x32xf32, #tpu.memory_space<vmem>>, vector<1x16xf32>,
    }
    %scan3A_13 = arith.constant 632 : i32
    %mul3A_14 = arith.constant 632 : i32
    %mul3A_15 = arith.muli %arg1, %mul3A_14 : i32
    "tpu.region"() ({
      %run_scoped3A_150 = tpu.sem_alloc : memref<!tpu.dma_semaphore, #tpu.memory_space<semaphore_mem>>
      %dma_start3A_151 = arith.constant 0 : i32
      %dma_start3A_152 = tpu.memref_slice %arg9[%mul3A_15, %dma_start3A_151] : memref<10112x32xf32, #tpu.memory_space<vmem_shared>> -> memref<632x32xf32, #tpu.memory_space<vmem_shared>>
      %dma_start3A_153 = arith.constant 0 : i32
      %dma_start3A_154 = tpu.memref_slice %arg9[%mul3A_15, %dma_start3A_153] : memref<10112x32xf32, #tpu.memory_space<vmem_shared>> -> memref<632x32xf32, #tpu.memory_space<vmem_shared>>
      tpu.enqueue_dma source(%arg8 : memref<632x32xf32, #tpu.memory_space<vmem>>) target(%dma_start3A_154 : memref<632x32xf32, #tpu.memory_space<vmem_shared>>) target_semaphore(%run_scoped3A_150 : memref<!tpu.dma_semaphore, #tpu.memory_space<semaphore_mem>>)
      %dma_wait3A_155 = arith.constant 0 : i32
      %dma_wait3A_156 = tpu.memref_slice %arg9[%mul3A_15, %dma_wait3A_155] : memref<10112x32xf32, #tpu.memory_space<vmem_shared>> -> memref<632x32xf32, #tpu.memory_space<vmem_shared>>
      %dma_wait3A_157 = arith.constant 0 : i32
      %dma_wait3A_158 = tpu.memref_slice %arg9[%mul3A_15, %dma_wait3A_157] : memref<10112x32xf32, #tpu.memory_space<vmem_shared>> -> memref<632x32xf32, #tpu.memory_space<vmem_shared>>
      tpu.wait_dma2 semaphore(%run_scoped3A_150 : memref<!tpu.dma_semaphore, #tpu.memory_space<semaphore_mem>>) src(%arg8 : memref<632x32xf32, #tpu.memory_space<vmem>>) dst(%dma_wait3A_158 : memref<632x32xf32, #tpu.memory_space<vmem_shared>>)
      tpu.yield
    }) : () -> ()
    %mul3A_16 = arith.constant 632 : i32
    %mul3A_17 = arith.muli %arg1, %mul3A_16 : i32
    %mul3A_18 = arith.constant 632 : i32
    %mul3A_19 = arith.muli %arg1, %mul3A_18 : i32
    "tpu.region"() ({
      %run_scoped3A_150 = tpu.sem_alloc : memref<!tpu.dma_semaphore, #tpu.memory_space<semaphore_mem>>
      %dma_start3A_151 = arith.constant 0 : i32
      %dma_start3A_152 = tpu.memref_slice %arg10[%mul3A_19, %dma_start3A_151] : memref<10112x32xf32, #tpu.memory_space<vmem_shared>> -> memref<632x32xf32, #tpu.memory_space<vmem_shared>>
      %dma_start3A_153 = arith.constant 0 : i32
      %dma_start3A_154 = tpu.memref_slice %arg2[%mul3A_17, %dma_start3A_153] : memref<10112x32xf32, #tpu.memory_space<hbm>> -> memref<632x32xf32, #tpu.memory_space<hbm>>
      tpu.enqueue_dma source(%dma_start3A_154 : memref<632x32xf32, #tpu.memory_space<hbm>>) target(%dma_start3A_152 : memref<632x32xf32, #tpu.memory_space<vmem_shared>>) target_semaphore(%run_scoped3A_150 : memref<!tpu.dma_semaphore, #tpu.memory_space<semaphore_mem>>)
      %dma_wait3A_155 = arith.constant 0 : i32
      %dma_wait3A_156 = tpu.memref_slice %arg10[%mul3A_19, %dma_wait3A_155] : memref<10112x32xf32, #tpu.memory_space<vmem_shared>> -> memref<632x32xf32, #tpu.memory_space<vmem_shared>>
      %dma_wait3A_157 = arith.constant 0 : i32
      %dma_wait3A_158 = tpu.memref_slice %arg2[%mul3A_17, %dma_wait3A_157] : memref<10112x32xf32, #tpu.memory_space<hbm>> -> memref<632x32xf32, #tpu.memory_space<hbm>>
      tpu.wait_dma2 semaphore(%run_scoped3A_150 : memref<!tpu.dma_semaphore, #tpu.memory_space<semaphore_mem>>) src(%dma_wait3A_158 : memref<632x32xf32, #tpu.memory_space<hbm>>) dst(%dma_wait3A_156 : memref<632x32xf32, #tpu.memory_space<vmem_shared>>)
      tpu.yield
    }) : () -> ()
    %run_scoped3A = arith.constant 0 : i32
    "tpu.region"() ({
      %run_scoped3A_150 = tpu.sem_alloc : memref<!tpu.dma_semaphore, #tpu.memory_space<semaphore_mem>>
      %dma_start3A_151 = arith.constant 0 : i32
      %dma_start3A_152 = arith.constant 0 : i32
      %dma_start3A_153 = tpu.memref_slice %arg5[%dma_start3A_151, %dma_start3A_152] : memref<80x128xi32, #tpu.memory_space<vmem>> -> memref<76x128xi32, #tpu.memory_space<vmem>>
      %dma_start3A_154 = arith.constant 0 : i32
      %dma_start3A_155 = tpu.memref_slice %arg3[%run_scoped3A, %mul3A_6, %dma_start3A_154] : memref<2x2500x128xi32, #tpu.memory_space<hbm>> -> memref<1x76x128xi32, #tpu.memory_space<hbm>>
      %dma_start3A_156 = tpu.memref_squeeze %dma_start3A_155 : memref<1x76x128xi32, #tpu.memory_space<hbm>> -> memref<76x128xi32, #tpu.memory_space<hbm>>
      %dma_start3A_157 = arith.constant 0 : i32
      %dma_start3A_158 = arith.constant 0 : i32
      %dma_start3A_159 = tpu.memref_slice %arg5[%dma_start3A_157, %dma_start3A_158] : memref<80x128xi32, #tpu.memory_space<vmem>> -> memref<76x128xi32, #tpu.memory_space<vmem>>
      %dma_start3A_160 = arith.constant 0 : i32
      %dma_start3A_161 = tpu.memref_slice %arg3[%run_scoped3A, %mul3A_6, %dma_start3A_160] : memref<2x2500x128xi32, #tpu.memory_space<hbm>> -> memref<1x76x128xi32, #tpu.memory_space<hbm>>
      %dma_start3A_162 = tpu.memref_squeeze %dma_start3A_161 : memref<1x76x128xi32, #tpu.memory_space<hbm>> -> memref<76x128xi32, #tpu.memory_space<hbm>>
      tpu.enqueue_dma source(%dma_start3A_162 : memref<76x128xi32, #tpu.memory_space<hbm>>) target(%dma_start3A_159 : memref<76x128xi32, #tpu.memory_space<vmem>>) target_semaphore(%run_scoped3A_150 : memref<!tpu.dma_semaphore, #tpu.memory_space<semaphore_mem>>)
      %dma_wait3A_163 = arith.constant 0 : i32
      %dma_wait3A_164 = arith.constant 0 : i32
      %dma_wait3A_165 = tpu.memref_slice %arg5[%dma_wait3A_163, %dma_wait3A_164] : memref<80x128xi32, #tpu.memory_space<vmem>> -> memref<76x128xi32, #tpu.memory_space<vmem>>
      %dma_wait3A_166 = arith.constant 0 : i32
      %dma_wait3A_167 = tpu.memref_slice %arg3[%run_scoped3A, %mul3A_6, %dma_wait3A_166] : memref<2x2500x128xi32, #tpu.memory_space<hbm>> -> memref<1x76x128xi32, #tpu.memory_space<hbm>>
      %dma_wait3A_168 = tpu.memref_squeeze %dma_wait3A_167 : memref<1x76x128xi32, #tpu.memory_space<hbm>> -> memref<76x128xi32, #tpu.memory_space<hbm>>
      %dma_wait3A_169 = arith.constant 0 : i32
      %dma_wait3A_170 = arith.constant 0 : i32
      %dma_wait3A_171 = tpu.memref_slice %arg5[%dma_wait3A_169, %dma_wait3A_170] : memref<80x128xi32, #tpu.memory_space<vmem>> -> memref<76x128xi32, #tpu.memory_space<vmem>>
      %dma_wait3A_172 = arith.constant 0 : i32
      %dma_wait3A_173 = tpu.memref_slice %arg3[%run_scoped3A, %mul3A_6, %dma_wait3A_172] : memref<2x2500x128xi32, #tpu.memory_space<hbm>> -> memref<1x76x128xi32, #tpu.memory_space<hbm>>
      %dma_wait3A_174 = tpu.memref_squeeze %dma_wait3A_173 : memref<1x76x128xi32, #tpu.memory_space<hbm>> -> memref<76x128xi32, #tpu.memory_space<hbm>>
      tpu.wait_dma2 semaphore(%run_scoped3A_150 : memref<!tpu.dma_semaphore, #tpu.memory_space<semaphore_mem>>) src(%dma_wait3A_174 : memref<76x128xi32, #tpu.memory_space<hbm>>) dst(%dma_wait3A_171 : memref<76x128xi32, #tpu.memory_space<vmem>>)
      tpu.yield
    }) : () -> ()
    %run_scoped3A_20 = arith.constant 1 : i32
    "tpu.region"() ({
      %run_scoped3A_150 = tpu.sem_alloc : memref<!tpu.dma_semaphore, #tpu.memory_space<semaphore_mem>>
      %dma_start3A_151 = arith.constant 0 : i32
      %dma_start3A_152 = arith.constant 0 : i32
      %dma_start3A_153 = tpu.memref_slice %arg6[%dma_start3A_151, %dma_start3A_152] : memref<80x128xi32, #tpu.memory_space<vmem>> -> memref<76x128xi32, #tpu.memory_space<vmem>>
      %dma_start3A_154 = arith.constant 0 : i32
      %dma_start3A_155 = tpu.memref_slice %arg3[%run_scoped3A_20, %mul3A_6, %dma_start3A_154] : memref<2x2500x128xi32, #tpu.memory_space<hbm>> -> memref<1x76x128xi32, #tpu.memory_space<hbm>>
      %dma_start3A_156 = tpu.memref_squeeze %dma_start3A_155 : memref<1x76x128xi32, #tpu.memory_space<hbm>> -> memref<76x128xi32, #tpu.memory_space<hbm>>
      %dma_start3A_157 = arith.constant 0 : i32
      %dma_start3A_158 = arith.constant 0 : i32
      %dma_start3A_159 = tpu.memref_slice %arg6[%dma_start3A_157, %dma_start3A_158] : memref<80x128xi32, #tpu.memory_space<vmem>> -> memref<76x128xi32, #tpu.memory_space<vmem>>
      %dma_start3A_160 = arith.constant 0 : i32
      %dma_start3A_161 = tpu.memref_slice %arg3[%run_scoped3A_20, %mul3A_6, %dma_start3A_160] : memref<2x2500x128xi32, #tpu.memory_space<hbm>> -> memref<1x76x128xi32, #tpu.memory_space<hbm>>
      %dma_start3A_162 = tpu.memref_squeeze %dma_start3A_161 : memref<1x76x128xi32, #tpu.memory_space<hbm>> -> memref<76x128xi32, #tpu.memory_space<hbm>>
      tpu.enqueue_dma source(%dma_start3A_162 : memref<76x128xi32, #tpu.memory_space<hbm>>) target(%dma_start3A_159 : memref<76x128xi32, #tpu.memory_space<vmem>>) target_semaphore(%run_scoped3A_150 : memref<!tpu.dma_semaphore, #tpu.memory_space<semaphore_mem>>)
      %dma_wait3A_163 = arith.constant 0 : i32
      %dma_wait3A_164 = arith.constant 0 : i32
      %dma_wait3A_165 = tpu.memref_slice %arg6[%dma_wait3A_163, %dma_wait3A_164] : memref<80x128xi32, #tpu.memory_space<vmem>> -> memref<76x128xi32, #tpu.memory_space<vmem>>
      %dma_wait3A_166 = arith.constant 0 : i32
      %dma_wait3A_167 = tpu.memref_slice %arg3[%run_scoped3A_20, %mul3A_6, %dma_wait3A_166] : memref<2x2500x128xi32, #tpu.memory_space<hbm>> -> memref<1x76x128xi32, #tpu.memory_space<hbm>>
      %dma_wait3A_168 = tpu.memref_squeeze %dma_wait3A_167 : memref<1x76x128xi32, #tpu.memory_space<hbm>> -> memref<76x128xi32, #tpu.memory_space<hbm>>
      %dma_wait3A_169 = arith.constant 0 : i32
      %dma_wait3A_170 = arith.constant 0 : i32
      %dma_wait3A_171 = tpu.memref_slice %arg6[%dma_wait3A_169, %dma_wait3A_170] : memref<80x128xi32, #tpu.memory_space<vmem>> -> memref<76x128xi32, #tpu.memory_space<vmem>>
      %dma_wait3A_172 = arith.constant 0 : i32
      %dma_wait3A_173 = tpu.memref_slice %arg3[%run_scoped3A_20, %mul3A_6, %dma_wait3A_172] : memref<2x2500x128xi32, #tpu.memory_space<hbm>> -> memref<1x76x128xi32, #tpu.memory_space<hbm>>
      %dma_wait3A_174 = tpu.memref_squeeze %dma_wait3A_173 : memref<1x76x128xi32, #tpu.memory_space<hbm>> -> memref<76x128xi32, #tpu.memory_space<hbm>>
      tpu.wait_dma2 semaphore(%run_scoped3A_150 : memref<!tpu.dma_semaphore, #tpu.memory_space<semaphore_mem>>) src(%dma_wait3A_174 : memref<76x128xi32, #tpu.memory_space<hbm>>) dst(%dma_wait3A_171 : memref<76x128xi32, #tpu.memory_space<vmem>>)
      tpu.yield
    }) : () -> ()
    %lt3A_21 = arith.constant 17 : i32
    %lt3A_22 = arith.cmpi slt, %add3A, %lt3A_21 : i32
    %convert_element_type3A = arith.extui %lt3A_22 : i1 to i32
    %cond3A = arith.constant 0 : i32
    %cond3A_23 = arith.cmpi ne, %convert_element_type3A, %cond3A : i32
    scf.if %cond3A_23 {
      %add3A_150 = arith.constant 76 : i32
      %add3A_151 = arith.addi %mul3A_6, %add3A_150 : i32
      %run_scoped3A_152 = arith.constant 0 : i32
      "tpu.region"() ({
        %run_scoped3A_156 = tpu.sem_alloc : memref<!tpu.dma_semaphore, #tpu.memory_space<semaphore_mem>>
        %dma_start3A_157 = arith.constant 76 : i32
        %dma_start3A_158 = arith.constant 0 : i32
        %dma_start3A_159 = tpu.memref_slice %arg5[%dma_start3A_157, %dma_start3A_158] : memref<80x128xi32, #tpu.memory_space<vmem>> -> memref<4x128xi32, #tpu.memory_space<vmem>>
        %dma_start3A_160 = arith.constant 0 : i32
        %dma_start3A_161 = tpu.memref_slice %arg3[%run_scoped3A_152, %add3A_151, %dma_start3A_160] : memref<2x2500x128xi32, #tpu.memory_space<hbm>> -> memref<1x4x128xi32, #tpu.memory_space<hbm>>
        %dma_start3A_162 = tpu.memref_squeeze %dma_start3A_161 : memref<1x4x128xi32, #tpu.memory_space<hbm>> -> memref<4x128xi32, #tpu.memory_space<hbm>>
        %dma_start3A_163 = arith.constant 76 : i32
        %dma_start3A_164 = arith.constant 0 : i32
        %dma_start3A_165 = tpu.memref_slice %arg5[%dma_start3A_163, %dma_start3A_164] : memref<80x128xi32, #tpu.memory_space<vmem>> -> memref<4x128xi32, #tpu.memory_space<vmem>>
        %dma_start3A_166 = arith.constant 0 : i32
        %dma_start3A_167 = tpu.memref_slice %arg3[%run_scoped3A_152, %add3A_151, %dma_start3A_166] : memref<2x2500x128xi32, #tpu.memory_space<hbm>> -> memref<1x4x128xi32, #tpu.memory_space<hbm>>
        %dma_start3A_168 = tpu.memref_squeeze %dma_start3A_167 : memref<1x4x128xi32, #tpu.memory_space<hbm>> -> memref<4x128xi32, #tpu.memory_space<hbm>>
        tpu.enqueue_dma source(%dma_start3A_168 : memref<4x128xi32, #tpu.memory_space<hbm>>) target(%dma_start3A_165 : memref<4x128xi32, #tpu.memory_space<vmem>>) target_semaphore(%run_scoped3A_156 : memref<!tpu.dma_semaphore, #tpu.memory_space<semaphore_mem>>)
        %dma_wait3A_169 = arith.constant 76 : i32
        %dma_wait3A_170 = arith.constant 0 : i32
        %dma_wait3A_171 = tpu.memref_slice %arg5[%dma_wait3A_169, %dma_wait3A_170] : memref<80x128xi32, #tpu.memory_space<vmem>> -> memref<4x128xi32, #tpu.memory_space<vmem>>
        %dma_wait3A_172 = arith.constant 0 : i32
        %dma_wait3A_173 = tpu.memref_slice %arg3[%run_scoped3A_152, %add3A_151, %dma_wait3A_172] : memref<2x2500x128xi32, #tpu.memory_space<hbm>> -> memref<1x4x128xi32, #tpu.memory_space<hbm>>
        %dma_wait3A_174 = tpu.memref_squeeze %dma_wait3A_173 : memref<1x4x128xi32, #tpu.memory_space<hbm>> -> memref<4x128xi32, #tpu.memory_space<hbm>>
        %dma_wait3A_175 = arith.constant 76 : i32
        %dma_wait3A_176 = arith.constant 0 : i32
        %dma_wait3A_177 = tpu.memref_slice %arg5[%dma_wait3A_175, %dma_wait3A_176] : memref<80x128xi32, #tpu.memory_space<vmem>> -> memref<4x128xi32, #tpu.memory_space<vmem>>
        %dma_wait3A_178 = arith.constant 0 : i32
        %dma_wait3A_179 = tpu.memref_slice %arg3[%run_scoped3A_152, %add3A_151, %dma_wait3A_178] : memref<2x2500x128xi32, #tpu.memory_space<hbm>> -> memref<1x4x128xi32, #tpu.memory_space<hbm>>
        %dma_wait3A_180 = tpu.memref_squeeze %dma_wait3A_179 : memref<1x4x128xi32, #tpu.memory_space<hbm>> -> memref<4x128xi32, #tpu.memory_space<hbm>>
        tpu.wait_dma2 semaphore(%run_scoped3A_156 : memref<!tpu.dma_semaphore, #tpu.memory_space<semaphore_mem>>) src(%dma_wait3A_180 : memref<4x128xi32, #tpu.memory_space<hbm>>) dst(%dma_wait3A_177 : memref<4x128xi32, #tpu.memory_space<vmem>>)
        tpu.yield
      }) : () -> ()
      %add3A_153 = arith.constant 76 : i32
      %add3A_154 = arith.addi %mul3A_6, %add3A_153 : i32
      %run_scoped3A_155 = arith.constant 1 : i32
      "tpu.region"() ({
        %run_scoped3A_156 = tpu.sem_alloc : memref<!tpu.dma_semaphore, #tpu.memory_space<semaphore_mem>>
        %dma_start3A_157 = arith.constant 76 : i32
        %dma_start3A_158 = arith.constant 0 : i32
        %dma_start3A_159 = tpu.memref_slice %arg6[%dma_start3A_157, %dma_start3A_158] : memref<80x128xi32, #tpu.memory_space<vmem>> -> memref<4x128xi32, #tpu.memory_space<vmem>>
        %dma_start3A_160 = arith.constant 0 : i32
        %dma_start3A_161 = tpu.memref_slice %arg3[%run_scoped3A_155, %add3A_154, %dma_start3A_160] : memref<2x2500x128xi32, #tpu.memory_space<hbm>> -> memref<1x4x128xi32, #tpu.memory_space<hbm>>
        %dma_start3A_162 = tpu.memref_squeeze %dma_start3A_161 : memref<1x4x128xi32, #tpu.memory_space<hbm>> -> memref<4x128xi32, #tpu.memory_space<hbm>>
        %dma_start3A_163 = arith.constant 76 : i32
        %dma_start3A_164 = arith.constant 0 : i32
        %dma_start3A_165 = tpu.memref_slice %arg6[%dma_start3A_163, %dma_start3A_164] : memref<80x128xi32, #tpu.memory_space<vmem>> -> memref<4x128xi32, #tpu.memory_space<vmem>>
        %dma_start3A_166 = arith.constant 0 : i32
        %dma_start3A_167 = tpu.memref_slice %arg3[%run_scoped3A_155, %add3A_154, %dma_start3A_166] : memref<2x2500x128xi32, #tpu.memory_space<hbm>> -> memref<1x4x128xi32, #tpu.memory_space<hbm>>
        %dma_start3A_168 = tpu.memref_squeeze %dma_start3A_167 : memref<1x4x128xi32, #tpu.memory_space<hbm>> -> memref<4x128xi32, #tpu.memory_space<hbm>>
        tpu.enqueue_dma source(%dma_start3A_168 : memref<4x128xi32, #tpu.memory_space<hbm>>) target(%dma_start3A_165 : memref<4x128xi32, #tpu.memory_space<vmem>>) target_semaphore(%run_scoped3A_156 : memref<!tpu.dma_semaphore, #tpu.memory_space<semaphore_mem>>)
        %dma_wait3A_169 = arith.constant 76 : i32
        %dma_wait3A_170 = arith.constant 0 : i32
        %dma_wait3A_171 = tpu.memref_slice %arg6[%dma_wait3A_169, %dma_wait3A_170] : memref<80x128xi32, #tpu.memory_space<vmem>> -> memref<4x128xi32, #tpu.memory_space<vmem>>
        %dma_wait3A_172 = arith.constant 0 : i32
        %dma_wait3A_173 = tpu.memref_slice %arg3[%run_scoped3A_155, %add3A_154, %dma_wait3A_172] : memref<2x2500x128xi32, #tpu.memory_space<hbm>> -> memref<1x4x128xi32, #tpu.memory_space<hbm>>
        %dma_wait3A_174 = tpu.memref_squeeze %dma_wait3A_173 : memref<1x4x128xi32, #tpu.memory_space<hbm>> -> memref<4x128xi32, #tpu.memory_space<hbm>>
        %dma_wait3A_175 = arith.constant 76 : i32
        %dma_wait3A_176 = arith.constant 0 : i32
        %dma_wait3A_177 = tpu.memref_slice %arg6[%dma_wait3A_175, %dma_wait3A_176] : memref<80x128xi32, #tpu.memory_space<vmem>> -> memref<4x128xi32, #tpu.memory_space<vmem>>
        %dma_wait3A_178 = arith.constant 0 : i32
        %dma_wait3A_179 = tpu.memref_slice %arg3[%run_scoped3A_155, %add3A_154, %dma_wait3A_178] : memref<2x2500x128xi32, #tpu.memory_space<hbm>> -> memref<1x4x128xi32, #tpu.memory_space<hbm>>
        %dma_wait3A_180 = tpu.memref_squeeze %dma_wait3A_179 : memref<1x4x128xi32, #tpu.memory_space<hbm>> -> memref<4x128xi32, #tpu.memory_space<hbm>>
        tpu.wait_dma2 semaphore(%run_scoped3A_156 : memref<!tpu.dma_semaphore, #tpu.memory_space<semaphore_mem>>) src(%dma_wait3A_180 : memref<4x128xi32, #tpu.memory_space<hbm>>) dst(%dma_wait3A_177 : memref<4x128xi32, #tpu.memory_space<vmem>>)
        tpu.yield
      }) : () -> ()
    } else {
    }
    %barrier3A = arith.constant 0 : index
    tpu.barrier barrier_id(%barrier3A)
    %dma_start3A = arith.constant 0 : i32
    %dma_start3A_24 = arith.constant 0 : i32
    %dma_start3A_25 = arith.constant 0 : i32
    %dma_start3A_26 = arith.constant 0 : i32
    %dma_start3A_27 = tpu.memref_slice %arg7[%dma_start3A_24, %dma_start3A_25, %dma_start3A_26] : memref<4x128x32xf32, #tpu.memory_space<vmem>> -> memref<1x128x32xf32, #tpu.memory_space<vmem>>
    %dma_start3A_28 = tpu.memref_squeeze %dma_start3A_27 : memref<1x128x32xf32, #tpu.memory_space<vmem>> -> memref<128x32xf32, #tpu.memory_space<vmem>>
    %dma_start3A_29 = arith.constant 0 : i32
    %dma_start3A_30 = tpu.memref_slice %arg5[%dma_start3A, %dma_start3A_29] : memref<80x128xi32, #tpu.memory_space<vmem>> -> memref<1x128xi32, #tpu.memory_space<vmem>>
    %dma_start3A_31 = tpu.memref_squeeze %dma_start3A_30 : memref<1x128xi32, #tpu.memory_space<vmem>> -> memref<128xi32, #tpu.memory_space<vmem>>
    %dma_start3A_32 = arith.constant 0 : i32
    %dma_start3A_33 = arith.constant 0 : i32
    %dma_start3A_34 = tpu.memref_slice %arg10[%dma_start3A_32, %dma_start3A_33] : memref<10112x32xf32, #tpu.memory_space<vmem_shared>> -> memref<10112x32xf32, #tpu.memory_space<vmem_shared>>
    tpu.enqueue_indirect_dma source(%dma_start3A_34 : memref<10112x32xf32, #tpu.memory_space<vmem_shared>>) target(%dma_start3A_28 : memref<128x32xf32, #tpu.memory_space<vmem>>) offsets(%dma_start3A_31 : memref<128xi32, #tpu.memory_space<vmem>>) semaphore(%arg11 : memref<!tpu.dma_semaphore, #tpu.memory_space<semaphore_mem>>)
    %dma_start3A_35 = arith.constant 1 : i32
    %dma_start3A_36 = arith.constant 1 : i32
    %dma_start3A_37 = arith.constant 0 : i32
    %dma_start3A_38 = arith.constant 0 : i32
    %dma_start3A_39 = tpu.memref_slice %arg7[%dma_start3A_36, %dma_start3A_37, %dma_start3A_38] : memref<4x128x32xf32, #tpu.memory_space<vmem>> -> memref<1x128x32xf32, #tpu.memory_space<vmem>>
    %dma_start3A_40 = tpu.memref_squeeze %dma_start3A_39 : memref<1x128x32xf32, #tpu.memory_space<vmem>> -> memref<128x32xf32, #tpu.memory_space<vmem>>
    %dma_start3A_41 = arith.constant 0 : i32
    %dma_start3A_42 = tpu.memref_slice %arg5[%dma_start3A_35, %dma_start3A_41] : memref<80x128xi32, #tpu.memory_space<vmem>> -> memref<1x128xi32, #tpu.memory_space<vmem>>
    %dma_start3A_43 = tpu.memref_squeeze %dma_start3A_42 : memref<1x128xi32, #tpu.memory_space<vmem>> -> memref<128xi32, #tpu.memory_space<vmem>>
    %dma_start3A_44 = arith.constant 0 : i32
    %dma_start3A_45 = arith.constant 0 : i32
    %dma_start3A_46 = tpu.memref_slice %arg10[%dma_start3A_44, %dma_start3A_45] : memref<10112x32xf32, #tpu.memory_space<vmem_shared>> -> memref<10112x32xf32, #tpu.memory_space<vmem_shared>>
    tpu.enqueue_indirect_dma source(%dma_start3A_46 : memref<10112x32xf32, #tpu.memory_space<vmem_shared>>) target(%dma_start3A_40 : memref<128x32xf32, #tpu.memory_space<vmem>>) offsets(%dma_start3A_43 : memref<128xi32, #tpu.memory_space<vmem>>) semaphore(%arg12 : memref<!tpu.dma_semaphore, #tpu.memory_space<semaphore_mem>>)
    %dma_start3A_47 = arith.constant 2 : i32
    %dma_start3A_48 = arith.constant 2 : i32
    %dma_start3A_49 = arith.constant 0 : i32
    %dma_start3A_50 = arith.constant 0 : i32
    %dma_start3A_51 = tpu.memref_slice %arg7[%dma_start3A_48, %dma_start3A_49, %dma_start3A_50] : memref<4x128x32xf32, #tpu.memory_space<vmem>> -> memref<1x128x32xf32, #tpu.memory_space<vmem>>
    %dma_start3A_52 = tpu.memref_squeeze %dma_start3A_51 : memref<1x128x32xf32, #tpu.memory_space<vmem>> -> memref<128x32xf32, #tpu.memory_space<vmem>>
    %dma_start3A_53 = arith.constant 0 : i32
    %dma_start3A_54 = tpu.memref_slice %arg5[%dma_start3A_47, %dma_start3A_53] : memref<80x128xi32, #tpu.memory_space<vmem>> -> memref<1x128xi32, #tpu.memory_space<vmem>>
    %dma_start3A_55 = tpu.memref_squeeze %dma_start3A_54 : memref<1x128xi32, #tpu.memory_space<vmem>> -> memref<128xi32, #tpu.memory_space<vmem>>
    %dma_start3A_56 = arith.constant 0 : i32
    %dma_start3A_57 = arith.constant 0 : i32
    %dma_start3A_58 = tpu.memref_slice %arg10[%dma_start3A_56, %dma_start3A_57] : memref<10112x32xf32, #tpu.memory_space<vmem_shared>> -> memref<10112x32xf32, #tpu.memory_space<vmem_shared>>
    tpu.enqueue_indirect_dma source(%dma_start3A_58 : memref<10112x32xf32, #tpu.memory_space<vmem_shared>>) target(%dma_start3A_52 : memref<128x32xf32, #tpu.memory_space<vmem>>) offsets(%dma_start3A_55 : memref<128xi32, #tpu.memory_space<vmem>>) semaphore(%arg13 : memref<!tpu.dma_semaphore, #tpu.memory_space<semaphore_mem>>)
    %dma_start3A_59 = arith.constant 3 : i32
    %dma_start3A_60 = arith.constant 3 : i32
    %dma_start3A_61 = arith.constant 0 : i32
    %dma_start3A_62 = arith.constant 0 : i32
    %dma_start3A_63 = tpu.memref_slice %arg7[%dma_start3A_60, %dma_start3A_61, %dma_start3A_62] : memref<4x128x32xf32, #tpu.memory_space<vmem>> -> memref<1x128x32xf32, #tpu.memory_space<vmem>>
    %dma_start3A_64 = tpu.memref_squeeze %dma_start3A_63 : memref<1x128x32xf32, #tpu.memory_space<vmem>> -> memref<128x32xf32, #tpu.memory_space<vmem>>
    %dma_start3A_65 = arith.constant 0 : i32
    %dma_start3A_66 = tpu.memref_slice %arg5[%dma_start3A_59, %dma_start3A_65] : memref<80x128xi32, #tpu.memory_space<vmem>> -> memref<1x128xi32, #tpu.memory_space<vmem>>
    %dma_start3A_67 = tpu.memref_squeeze %dma_start3A_66 : memref<1x128xi32, #tpu.memory_space<vmem>> -> memref<128xi32, #tpu.memory_space<vmem>>
    %dma_start3A_68 = arith.constant 0 : i32
    %dma_start3A_69 = arith.constant 0 : i32
    %dma_start3A_70 = tpu.memref_slice %arg10[%dma_start3A_68, %dma_start3A_69] : memref<10112x32xf32, #tpu.memory_space<vmem_shared>> -> memref<10112x32xf32, #tpu.memory_space<vmem_shared>>
    tpu.enqueue_indirect_dma source(%dma_start3A_70 : memref<10112x32xf32, #tpu.memory_space<vmem_shared>>) target(%dma_start3A_64 : memref<128x32xf32, #tpu.memory_space<vmem>>) offsets(%dma_start3A_67 : memref<128xi32, #tpu.memory_space<vmem>>) semaphore(%arg14 : memref<!tpu.dma_semaphore, #tpu.memory_space<semaphore_mem>>)
    %jit3A_71 = arith.constant 4 : i32
    %div3A = arith.divsi %select_n3A, %jit3A_71 : i32
    %sign3A = arith.constant 0 : i32
    %sign3A_72 = arith.cmpi sgt, %select_n3A, %sign3A : i32
    %sign3A_73 = arith.extui %sign3A_72 : i1 to i32
    %sign3A_74 = arith.constant 0 : i32
    %sign3A_75 = arith.cmpi slt, %select_n3A, %sign3A_74 : i32
    %sign3A_76 = arith.extui %sign3A_75 : i1 to i32
    %sign3A_77 = arith.subi %sign3A_73, %sign3A_76 : i32
    %sign3A_78 = arith.constant 0 : i32
    %sign3A_79 = arith.cmpi sgt, %jit3A_71, %sign3A_78 : i32
    %sign3A_80 = arith.extui %sign3A_79 : i1 to i32
    %sign3A_81 = arith.constant 0 : i32
    %sign3A_82 = arith.cmpi slt, %jit3A_71, %sign3A_81 : i32
    %sign3A_83 = arith.extui %sign3A_82 : i1 to i32
    %sign3A_84 = arith.subi %sign3A_80, %sign3A_83 : i32
    %ne3A = arith.cmpi ne, %sign3A_77, %sign3A_84 : i32
    %rem3A = arith.remsi %select_n3A, %jit3A_71 : i32
    %ne3A_85 = arith.constant 0 : i32
    %ne3A_86 = arith.cmpi ne, %rem3A, %ne3A_85 : i32
    %and3A = arith.andi %ne3A, %ne3A_86 : i1
    %sub3A = arith.constant 1 : i32
    %sub3A_87 = arith.subi %div3A, %sub3A : i32
    %select_n3A_88 = arith.select %and3A, %sub3A_87, %div3A : i32
    %while3A = arith.constant 0 : i32
    %while3A_89 = arith.constant 0 : i32
    %while3A_90 = arith.subi %select_n3A_88, %while3A_89 : i32
    %while3A_91 = arith.addi %while3A_89, %while3A_90 : i32
    %while3A_92 = arith.constant 1 : i32
    %while3A_93 = arith.divsi %while3A_90, %while3A_92 : i32
    %while3A_94 = arith.muli %while3A_93, %while3A_92 : i32
    %while3A_95 = arith.addi %while3A_89, %while3A_94 : i32
    %while3A_96 = arith.constant 1 : i32
    scf.for %while3A_150 = %while3A_89 to %while3A_95 step %while3A_96  : i32 {
      %mul3A_151 = arith.constant 4 : i32
      %mul3A_152 = arith.muli %while3A_150, %mul3A_151 : i32
      %add3A_153 = arith.constant 0 : i32
      %add3A_154 = arith.addi %mul3A_152, %add3A_153 : i32
      %dma_wait3A_155 = arith.constant 0 : i32
      %dma_wait3A_156 = arith.constant 0 : i32
      %dma_wait3A_157 = arith.constant 0 : i32
      %dma_wait3A_158 = arith.constant 0 : i32
      %dma_wait3A_159 = tpu.memref_slice %arg7[%dma_wait3A_156, %dma_wait3A_157, %dma_wait3A_158] : memref<4x128x32xf32, #tpu.memory_space<vmem>> -> memref<1x128x32xf32, #tpu.memory_space<vmem>>
      %dma_wait3A_160 = tpu.memref_squeeze %dma_wait3A_159 : memref<1x128x32xf32, #tpu.memory_space<vmem>> -> memref<128x32xf32, #tpu.memory_space<vmem>>
      %dma_wait3A_161 = arith.constant 0 : i32
      %dma_wait3A_162 = tpu.memref_slice %arg5[%dma_wait3A_155, %dma_wait3A_161] : memref<80x128xi32, #tpu.memory_space<vmem>> -> memref<1x128xi32, #tpu.memory_space<vmem>>
      %dma_wait3A_163 = tpu.memref_squeeze %dma_wait3A_162 : memref<1x128xi32, #tpu.memory_space<vmem>> -> memref<128xi32, #tpu.memory_space<vmem>>
      %dma_wait3A_164 = arith.constant 0 : i32
      %dma_wait3A_165 = arith.constant 0 : i32
      %dma_wait3A_166 = tpu.memref_slice %arg10[%dma_wait3A_164, %dma_wait3A_165] : memref<10112x32xf32, #tpu.memory_space<vmem_shared>> -> memref<10112x32xf32, #tpu.memory_space<vmem_shared>>
      tpu.wait_indirect_dma semaphore(%arg11 : memref<!tpu.dma_semaphore, #tpu.memory_space<semaphore_mem>>) src(%dma_wait3A_166 : memref<10112x32xf32, #tpu.memory_space<vmem_shared>>) dst(%dma_wait3A_160 : memref<128x32xf32, #tpu.memory_space<vmem>>)
      %run_scoped3A_167 = arith.constant 0 : i32
      "tpu.region"() ({
        %run_scoped3A_283 = tpu.sem_alloc : memref<!tpu.dma_semaphore, #tpu.memory_space<semaphore_mem>>
        %dma_start3A_284 = arith.constant 0 : i32
        %dma_start3A_285 = arith.constant 0 : i32
        %dma_start3A_286 = tpu.memref_slice %arg7[%run_scoped3A_167, %dma_start3A_284, %dma_start3A_285] : memref<4x128x32xf32, #tpu.memory_space<vmem>> -> memref<1x128x32xf32, #tpu.memory_space<vmem>>
        %dma_start3A_287 = tpu.memref_squeeze %dma_start3A_286 : memref<1x128x32xf32, #tpu.memory_space<vmem>> -> memref<128x32xf32, #tpu.memory_space<vmem>>
        %dma_start3A_288 = arith.constant 0 : i32
        %dma_start3A_289 = tpu.memref_slice %arg6[%add3A_154, %dma_start3A_288] : memref<80x128xi32, #tpu.memory_space<vmem>> -> memref<1x128xi32, #tpu.memory_space<vmem>>
        %dma_start3A_290 = tpu.memref_squeeze %dma_start3A_289 : memref<1x128xi32, #tpu.memory_space<vmem>> -> memref<128xi32, #tpu.memory_space<vmem>>
        %dma_start3A_291 = arith.constant 0 : i32
        %dma_start3A_292 = arith.constant 0 : i32
        %dma_start3A_293 = tpu.memref_slice %arg9[%dma_start3A_291, %dma_start3A_292] : memref<10112x32xf32, #tpu.memory_space<vmem_shared>> -> memref<10112x32xf32, #tpu.memory_space<vmem_shared>>
        tpu.enqueue_indirect_dma source(%dma_start3A_287 : memref<128x32xf32, #tpu.memory_space<vmem>>) target(%dma_start3A_293 : memref<10112x32xf32, #tpu.memory_space<vmem_shared>>) offsets(%dma_start3A_290 : memref<128xi32, #tpu.memory_space<vmem>>) semaphore(%run_scoped3A_283 : memref<!tpu.dma_semaphore, #tpu.memory_space<semaphore_mem>>) {add = true}
        %dma_wait3A_294 = arith.constant 0 : i32
        %dma_wait3A_295 = arith.constant 0 : i32
        %dma_wait3A_296 = tpu.memref_slice %arg7[%run_scoped3A_167, %dma_wait3A_294, %dma_wait3A_295] : memref<4x128x32xf32, #tpu.memory_space<vmem>> -> memref<1x128x32xf32, #tpu.memory_space<vmem>>
        %dma_wait3A_297 = tpu.memref_squeeze %dma_wait3A_296 : memref<1x128x32xf32, #tpu.memory_space<vmem>> -> memref<128x32xf32, #tpu.memory_space<vmem>>
        %dma_wait3A_298 = arith.constant 0 : i32
        %dma_wait3A_299 = tpu.memref_slice %arg6[%add3A_154, %dma_wait3A_298] : memref<80x128xi32, #tpu.memory_space<vmem>> -> memref<1x128xi32, #tpu.memory_space<vmem>>
        %dma_wait3A_300 = tpu.memref_squeeze %dma_wait3A_299 : memref<1x128xi32, #tpu.memory_space<vmem>> -> memref<128xi32, #tpu.memory_space<vmem>>
        %dma_wait3A_301 = arith.constant 0 : i32
        %dma_wait3A_302 = arith.constant 0 : i32
        %dma_wait3A_303 = tpu.memref_slice %arg9[%dma_wait3A_301, %dma_wait3A_302] : memref<10112x32xf32, #tpu.memory_space<vmem_shared>> -> memref<10112x32xf32, #tpu.memory_space<vmem_shared>>
        tpu.wait_indirect_dma semaphore(%run_scoped3A_283 : memref<!tpu.dma_semaphore, #tpu.memory_space<semaphore_mem>>) src(%dma_wait3A_297 : memref<128x32xf32, #tpu.memory_space<vmem>>) dst(%dma_wait3A_303 : memref<10112x32xf32, #tpu.memory_space<vmem_shared>>)
        tpu.yield
      }) : () -> ()
      %add3A_168 = arith.constant 4 : i32
      %add3A_169 = arith.addi %add3A_154, %add3A_168 : i32
      %sub3A_170 = arith.constant 1 : i32
      %sub3A_171 = arith.subi %select_n3A, %sub3A_170 : i32
      %min3A_172 = arith.minsi %add3A_169, %sub3A_171 : i32
      %dma_start3A_173 = arith.constant 0 : i32
      %dma_start3A_174 = arith.constant 0 : i32
      %dma_start3A_175 = arith.constant 0 : i32
      %dma_start3A_176 = tpu.memref_slice %arg7[%dma_start3A_173, %dma_start3A_174, %dma_start3A_175] : memref<4x128x32xf32, #tpu.memory_space<vmem>> -> memref<1x128x32xf32, #tpu.memory_space<vmem>>
      %dma_start3A_177 = tpu.memref_squeeze %dma_start3A_176 : memref<1x128x32xf32, #tpu.memory_space<vmem>> -> memref<128x32xf32, #tpu.memory_space<vmem>>
      %dma_start3A_178 = arith.constant 0 : i32
      %dma_start3A_179 = tpu.memref_slice %arg5[%min3A_172, %dma_start3A_178] : memref<80x128xi32, #tpu.memory_space<vmem>> -> memref<1x128xi32, #tpu.memory_space<vmem>>
      %dma_start3A_180 = tpu.memref_squeeze %dma_start3A_179 : memref<1x128xi32, #tpu.memory_space<vmem>> -> memref<128xi32, #tpu.memory_space<vmem>>
      %dma_start3A_181 = arith.constant 0 : i32
      %dma_start3A_182 = arith.constant 0 : i32
      %dma_start3A_183 = tpu.memref_slice %arg10[%dma_start3A_181, %dma_start3A_182] : memref<10112x32xf32, #tpu.memory_space<vmem_shared>> -> memref<10112x32xf32, #tpu.memory_space<vmem_shared>>
      tpu.enqueue_indirect_dma source(%dma_start3A_183 : memref<10112x32xf32, #tpu.memory_space<vmem_shared>>) target(%dma_start3A_177 : memref<128x32xf32, #tpu.memory_space<vmem>>) offsets(%dma_start3A_180 : memref<128xi32, #tpu.memory_space<vmem>>) semaphore(%arg11 : memref<!tpu.dma_semaphore, #tpu.memory_space<semaphore_mem>>)
      %mul3A_184 = arith.constant 4 : i32
      %mul3A_185 = arith.muli %while3A_150, %mul3A_184 : i32
      %add3A_186 = arith.constant 1 : i32
      %add3A_187 = arith.addi %mul3A_185, %add3A_186 : i32
      %dma_wait3A_188 = arith.constant 0 : i32
      %dma_wait3A_189 = arith.constant 1 : i32
      %dma_wait3A_190 = arith.constant 0 : i32
      %dma_wait3A_191 = arith.constant 0 : i32
      %dma_wait3A_192 = tpu.memref_slice %arg7[%dma_wait3A_189, %dma_wait3A_190, %dma_wait3A_191] : memref<4x128x32xf32, #tpu.memory_space<vmem>> -> memref<1x128x32xf32, #tpu.memory_space<vmem>>
      %dma_wait3A_193 = tpu.memref_squeeze %dma_wait3A_192 : memref<1x128x32xf32, #tpu.memory_space<vmem>> -> memref<128x32xf32, #tpu.memory_space<vmem>>
      %dma_wait3A_194 = arith.constant 0 : i32
      %dma_wait3A_195 = tpu.memref_slice %arg5[%dma_wait3A_188, %dma_wait3A_194] : memref<80x128xi32, #tpu.memory_space<vmem>> -> memref<1x128xi32, #tpu.memory_space<vmem>>
      %dma_wait3A_196 = tpu.memref_squeeze %dma_wait3A_195 : memref<1x128xi32, #tpu.memory_space<vmem>> -> memref<128xi32, #tpu.memory_space<vmem>>
      %dma_wait3A_197 = arith.constant 0 : i32
      %dma_wait3A_198 = arith.constant 0 : i32
      %dma_wait3A_199 = tpu.memref_slice %arg10[%dma_wait3A_197, %dma_wait3A_198] : memref<10112x32xf32, #tpu.memory_space<vmem_shared>> -> memref<10112x32xf32, #tpu.memory_space<vmem_shared>>
      tpu.wait_indirect_dma semaphore(%arg12 : memref<!tpu.dma_semaphore, #tpu.memory_space<semaphore_mem>>) src(%dma_wait3A_199 : memref<10112x32xf32, #tpu.memory_space<vmem_shared>>) dst(%dma_wait3A_193 : memref<128x32xf32, #tpu.memory_space<vmem>>)
      %run_scoped3A_200 = arith.constant 1 : i32
      "tpu.region"() ({
        %run_scoped3A_283 = tpu.sem_alloc : memref<!tpu.dma_semaphore, #tpu.memory_space<semaphore_mem>>
        %dma_start3A_284 = arith.constant 0 : i32
        %dma_start3A_285 = arith.constant 0 : i32
        %dma_start3A_286 = tpu.memref_slice %arg7[%run_scoped3A_200, %dma_start3A_284, %dma_start3A_285] : memref<4x128x32xf32, #tpu.memory_space<vmem>> -> memref<1x128x32xf32, #tpu.memory_space<vmem>>
        %dma_start3A_287 = tpu.memref_squeeze %dma_start3A_286 : memref<1x128x32xf32, #tpu.memory_space<vmem>> -> memref<128x32xf32, #tpu.memory_space<vmem>>
        %dma_start3A_288 = arith.constant 0 : i32
        %dma_start3A_289 = tpu.memref_slice %arg6[%add3A_187, %dma_start3A_288] : memref<80x128xi32, #tpu.memory_space<vmem>> -> memref<1x128xi32, #tpu.memory_space<vmem>>
        %dma_start3A_290 = tpu.memref_squeeze %dma_start3A_289 : memref<1x128xi32, #tpu.memory_space<vmem>> -> memref<128xi32, #tpu.memory_space<vmem>>
        %dma_start3A_291 = arith.constant 0 : i32
        %dma_start3A_292 = arith.constant 0 : i32
        %dma_start3A_293 = tpu.memref_slice %arg9[%dma_start3A_291, %dma_start3A_292] : memref<10112x32xf32, #tpu.memory_space<vmem_shared>> -> memref<10112x32xf32, #tpu.memory_space<vmem_shared>>
        tpu.enqueue_indirect_dma source(%dma_start3A_287 : memref<128x32xf32, #tpu.memory_space<vmem>>) target(%dma_start3A_293 : memref<10112x32xf32, #tpu.memory_space<vmem_shared>>) offsets(%dma_start3A_290 : memref<128xi32, #tpu.memory_space<vmem>>) semaphore(%run_scoped3A_283 : memref<!tpu.dma_semaphore, #tpu.memory_space<semaphore_mem>>) {add = true}
        %dma_wait3A_294 = arith.constant 0 : i32
        %dma_wait3A_295 = arith.constant 0 : i32
        %dma_wait3A_296 = tpu.memref_slice %arg7[%run_scoped3A_200, %dma_wait3A_294, %dma_wait3A_295] : memref<4x128x32xf32, #tpu.memory_space<vmem>> -> memref<1x128x32xf32, #tpu.memory_space<vmem>>
        %dma_wait3A_297 = tpu.memref_squeeze %dma_wait3A_296 : memref<1x128x32xf32, #tpu.memory_space<vmem>> -> memref<128x32xf32, #tpu.memory_space<vmem>>
        %dma_wait3A_298 = arith.constant 0 : i32
        %dma_wait3A_299 = tpu.memref_slice %arg6[%add3A_187, %dma_wait3A_298] : memref<80x128xi32, #tpu.memory_space<vmem>> -> memref<1x128xi32, #tpu.memory_space<vmem>>
        %dma_wait3A_300 = tpu.memref_squeeze %dma_wait3A_299 : memref<1x128xi32, #tpu.memory_space<vmem>> -> memref<128xi32, #tpu.memory_space<vmem>>
        %dma_wait3A_301 = arith.constant 0 : i32
        %dma_wait3A_302 = arith.constant 0 : i32
        %dma_wait3A_303 = tpu.memref_slice %arg9[%dma_wait3A_301, %dma_wait3A_302] : memref<10112x32xf32, #tpu.memory_space<vmem_shared>> -> memref<10112x32xf32, #tpu.memory_space<vmem_shared>>
        tpu.wait_indirect_dma semaphore(%run_scoped3A_283 : memref<!tpu.dma_semaphore, #tpu.memory_space<semaphore_mem>>) src(%dma_wait3A_297 : memref<128x32xf32, #tpu.memory_space<vmem>>) dst(%dma_wait3A_303 : memref<10112x32xf32, #tpu.memory_space<vmem_shared>>)
        tpu.yield
      }) : () -> ()
      %add3A_201 = arith.constant 4 : i32
      %add3A_202 = arith.addi %add3A_187, %add3A_201 : i32
      %sub3A_203 = arith.constant 1 : i32
      %sub3A_204 = arith.subi %select_n3A, %sub3A_203 : i32
      %min3A_205 = arith.minsi %add3A_202, %sub3A_204 : i32
      %dma_start3A_206 = arith.constant 1 : i32
      %dma_start3A_207 = arith.constant 0 : i32
      %dma_start3A_208 = arith.constant 0 : i32
      %dma_start3A_209 = tpu.memref_slice %arg7[%dma_start3A_206, %dma_start3A_207, %dma_start3A_208] : memref<4x128x32xf32, #tpu.memory_space<vmem>> -> memref<1x128x32xf32, #tpu.memory_space<vmem>>
      %dma_start3A_210 = tpu.memref_squeeze %dma_start3A_209 : memref<1x128x32xf32, #tpu.memory_space<vmem>> -> memref<128x32xf32, #tpu.memory_space<vmem>>
      %dma_start3A_211 = arith.constant 0 : i32
      %dma_start3A_212 = tpu.memref_slice %arg5[%min3A_205, %dma_start3A_211] : memref<80x128xi32, #tpu.memory_space<vmem>> -> memref<1x128xi32, #tpu.memory_space<vmem>>
      %dma_start3A_213 = tpu.memref_squeeze %dma_start3A_212 : memref<1x128xi32, #tpu.memory_space<vmem>> -> memref<128xi32, #tpu.memory_space<vmem>>
      %dma_start3A_214 = arith.constant 0 : i32
      %dma_start3A_215 = arith.constant 0 : i32
      %dma_start3A_216 = tpu.memref_slice %arg10[%dma_start3A_214, %dma_start3A_215] : memref<10112x32xf32, #tpu.memory_space<vmem_shared>> -> memref<10112x32xf32, #tpu.memory_space<vmem_shared>>
      tpu.enqueue_indirect_dma source(%dma_start3A_216 : memref<10112x32xf32, #tpu.memory_space<vmem_shared>>) target(%dma_start3A_210 : memref<128x32xf32, #tpu.memory_space<vmem>>) offsets(%dma_start3A_213 : memref<128xi32, #tpu.memory_space<vmem>>) semaphore(%arg12 : memref<!tpu.dma_semaphore, #tpu.memory_space<semaphore_mem>>)
      %mul3A_217 = arith.constant 4 : i32
      %mul3A_218 = arith.muli %while3A_150, %mul3A_217 : i32
      %add3A_219 = arith.constant 2 : i32
      %add3A_220 = arith.addi %mul3A_218, %add3A_219 : i32
      %dma_wait3A_221 = arith.constant 0 : i32
      %dma_wait3A_222 = arith.constant 2 : i32
      %dma_wait3A_223 = arith.constant 0 : i32
      %dma_wait3A_224 = arith.constant 0 : i32
      %dma_wait3A_225 = tpu.memref_slice %arg7[%dma_wait3A_222, %dma_wait3A_223, %dma_wait3A_224] : memref<4x128x32xf32, #tpu.memory_space<vmem>> -> memref<1x128x32xf32, #tpu.memory_space<vmem>>
      %dma_wait3A_226 = tpu.memref_squeeze %dma_wait3A_225 : memref<1x128x32xf32, #tpu.memory_space<vmem>> -> memref<128x32xf32, #tpu.memory_space<vmem>>
      %dma_wait3A_227 = arith.constant 0 : i32
      %dma_wait3A_228 = tpu.memref_slice %arg5[%dma_wait3A_221, %dma_wait3A_227] : memref<80x128xi32, #tpu.memory_space<vmem>> -> memref<1x128xi32, #tpu.memory_space<vmem>>
      %dma_wait3A_229 = tpu.memref_squeeze %dma_wait3A_228 : memref<1x128xi32, #tpu.memory_space<vmem>> -> memref<128xi32, #tpu.memory_space<vmem>>
      %dma_wait3A_230 = arith.constant 0 : i32
      %dma_wait3A_231 = arith.constant 0 : i32
      %dma_wait3A_232 = tpu.memref_slice %arg10[%dma_wait3A_230, %dma_wait3A_231] : memref<10112x32xf32, #tpu.memory_space<vmem_shared>> -> memref<10112x32xf32, #tpu.memory_space<vmem_shared>>
      tpu.wait_indirect_dma semaphore(%arg13 : memref<!tpu.dma_semaphore, #tpu.memory_space<semaphore_mem>>) src(%dma_wait3A_232 : memref<10112x32xf32, #tpu.memory_space<vmem_shared>>) dst(%dma_wait3A_226 : memref<128x32xf32, #tpu.memory_space<vmem>>)
      %run_scoped3A_233 = arith.constant 2 : i32
      "tpu.region"() ({
        %run_scoped3A_283 = tpu.sem_alloc : memref<!tpu.dma_semaphore, #tpu.memory_space<semaphore_mem>>
        %dma_start3A_284 = arith.constant 0 : i32
        %dma_start3A_285 = arith.constant 0 : i32
        %dma_start3A_286 = tpu.memref_slice %arg7[%run_scoped3A_233, %dma_start3A_284, %dma_start3A_285] : memref<4x128x32xf32, #tpu.memory_space<vmem>> -> memref<1x128x32xf32, #tpu.memory_space<vmem>>
        %dma_start3A_287 = tpu.memref_squeeze %dma_start3A_286 : memref<1x128x32xf32, #tpu.memory_space<vmem>> -> memref<128x32xf32, #tpu.memory_space<vmem>>
        %dma_start3A_288 = arith.constant 0 : i32
        %dma_start3A_289 = tpu.memref_slice %arg6[%add3A_220, %dma_start3A_288] : memref<80x128xi32, #tpu.memory_space<vmem>> -> memref<1x128xi32, #tpu.memory_space<vmem>>
        %dma_start3A_290 = tpu.memref_squeeze %dma_start3A_289 : memref<1x128xi32, #tpu.memory_space<vmem>> -> memref<128xi32, #tpu.memory_space<vmem>>
        %dma_start3A_291 = arith.constant 0 : i32
        %dma_start3A_292 = arith.constant 0 : i32
        %dma_start3A_293 = tpu.memref_slice %arg9[%dma_start3A_291, %dma_start3A_292] : memref<10112x32xf32, #tpu.memory_space<vmem_shared>> -> memref<10112x32xf32, #tpu.memory_space<vmem_shared>>
        tpu.enqueue_indirect_dma source(%dma_start3A_287 : memref<128x32xf32, #tpu.memory_space<vmem>>) target(%dma_start3A_293 : memref<10112x32xf32, #tpu.memory_space<vmem_shared>>) offsets(%dma_start3A_290 : memref<128xi32, #tpu.memory_space<vmem>>) semaphore(%run_scoped3A_283 : memref<!tpu.dma_semaphore, #tpu.memory_space<semaphore_mem>>) {add = true}
        %dma_wait3A_294 = arith.constant 0 : i32
        %dma_wait3A_295 = arith.constant 0 : i32
        %dma_wait3A_296 = tpu.memref_slice %arg7[%run_scoped3A_233, %dma_wait3A_294, %dma_wait3A_295] : memref<4x128x32xf32, #tpu.memory_space<vmem>> -> memref<1x128x32xf32, #tpu.memory_space<vmem>>
        %dma_wait3A_297 = tpu.memref_squeeze %dma_wait3A_296 : memref<1x128x32xf32, #tpu.memory_space<vmem>> -> memref<128x32xf32, #tpu.memory_space<vmem>>
        %dma_wait3A_298 = arith.constant 0 : i32
        %dma_wait3A_299 = tpu.memref_slice %arg6[%add3A_220, %dma_wait3A_298] : memref<80x128xi32, #tpu.memory_space<vmem>> -> memref<1x128xi32, #tpu.memory_space<vmem>>
        %dma_wait3A_300 = tpu.memref_squeeze %dma_wait3A_299 : memref<1x128xi32, #tpu.memory_space<vmem>> -> memref<128xi32, #tpu.memory_space<vmem>>
        %dma_wait3A_301 = arith.constant 0 : i32
        %dma_wait3A_302 = arith.constant 0 : i32
        %dma_wait3A_303 = tpu.memref_slice %arg9[%dma_wait3A_301, %dma_wait3A_302] : memref<10112x32xf32, #tpu.memory_space<vmem_shared>> -> memref<10112x32xf32, #tpu.memory_space<vmem_shared>>
        tpu.wait_indirect_dma semaphore(%run_scoped3A_283 : memref<!tpu.dma_semaphore, #tpu.memory_space<semaphore_mem>>) src(%dma_wait3A_297 : memref<128x32xf32, #tpu.memory_space<vmem>>) dst(%dma_wait3A_303 : memref<10112x32xf32, #tpu.memory_space<vmem_shared>>)
        tpu.yield
      }) : () -> ()
      %add3A_234 = arith.constant 4 : i32
      %add3A_235 = arith.addi %add3A_220, %add3A_234 : i32
      %sub3A_236 = arith.constant 1 : i32
      %sub3A_237 = arith.subi %select_n3A, %sub3A_236 : i32
      %min3A_238 = arith.minsi %add3A_235, %sub3A_237 : i32
      %dma_start3A_239 = arith.constant 2 : i32
      %dma_start3A_240 = arith.constant 0 : i32
      %dma_start3A_241 = arith.constant 0 : i32
      %dma_start3A_242 = tpu.memref_slice %arg7[%dma_start3A_239, %dma_start3A_240, %dma_start3A_241] : memref<4x128x32xf32, #tpu.memory_space<vmem>> -> memref<1x128x32xf32, #tpu.memory_space<vmem>>
      %dma_start3A_243 = tpu.memref_squeeze %dma_start3A_242 : memref<1x128x32xf32, #tpu.memory_space<vmem>> -> memref<128x32xf32, #tpu.memory_space<vmem>>
      %dma_start3A_244 = arith.constant 0 : i32
      %dma_start3A_245 = tpu.memref_slice %arg5[%min3A_238, %dma_start3A_244] : memref<80x128xi32, #tpu.memory_space<vmem>> -> memref<1x128xi32, #tpu.memory_space<vmem>>
      %dma_start3A_246 = tpu.memref_squeeze %dma_start3A_245 : memref<1x128xi32, #tpu.memory_space<vmem>> -> memref<128xi32, #tpu.memory_space<vmem>>
      %dma_start3A_247 = arith.constant 0 : i32
      %dma_start3A_248 = arith.constant 0 : i32
      %dma_start3A_249 = tpu.memref_slice %arg10[%dma_start3A_247, %dma_start3A_248] : memref<10112x32xf32, #tpu.memory_space<vmem_shared>> -> memref<10112x32xf32, #tpu.memory_space<vmem_shared>>
      tpu.enqueue_indirect_dma source(%dma_start3A_249 : memref<10112x32xf32, #tpu.memory_space<vmem_shared>>) target(%dma_start3A_243 : memref<128x32xf32, #tpu.memory_space<vmem>>) offsets(%dma_start3A_246 : memref<128xi32, #tpu.memory_space<vmem>>) semaphore(%arg13 : memref<!tpu.dma_semaphore, #tpu.memory_space<semaphore_mem>>)
      %mul3A_250 = arith.constant 4 : i32
      %mul3A_251 = arith.muli %while3A_150, %mul3A_250 : i32
      %add3A_252 = arith.constant 3 : i32
      %add3A_253 = arith.addi %mul3A_251, %add3A_252 : i32
      %dma_wait3A_254 = arith.constant 0 : i32
      %dma_wait3A_255 = arith.constant 3 : i32
      %dma_wait3A_256 = arith.constant 0 : i32
      %dma_wait3A_257 = arith.constant 0 : i32
      %dma_wait3A_258 = tpu.memref_slice %arg7[%dma_wait3A_255, %dma_wait3A_256, %dma_wait3A_257] : memref<4x128x32xf32, #tpu.memory_space<vmem>> -> memref<1x128x32xf32, #tpu.memory_space<vmem>>
      %dma_wait3A_259 = tpu.memref_squeeze %dma_wait3A_258 : memref<1x128x32xf32, #tpu.memory_space<vmem>> -> memref<128x32xf32, #tpu.memory_space<vmem>>
      %dma_wait3A_260 = arith.constant 0 : i32
      %dma_wait3A_261 = tpu.memref_slice %arg5[%dma_wait3A_254, %dma_wait3A_260] : memref<80x128xi32, #tpu.memory_space<vmem>> -> memref<1x128xi32, #tpu.memory_space<vmem>>
      %dma_wait3A_262 = tpu.memref_squeeze %dma_wait3A_261 : memref<1x128xi32, #tpu.memory_space<vmem>> -> memref<128xi32, #tpu.memory_space<vmem>>
      %dma_wait3A_263 = arith.constant 0 : i32
      %dma_wait3A_264 = arith.constant 0 : i32
      %dma_wait3A_265 = tpu.memref_slice %arg10[%dma_wait3A_263, %dma_wait3A_264] : memref<10112x32xf32, #tpu.memory_space<vmem_shared>> -> memref<10112x32xf32, #tpu.memory_space<vmem_shared>>
      tpu.wait_indirect_dma semaphore(%arg14 : memref<!tpu.dma_semaphore, #tpu.memory_space<semaphore_mem>>) src(%dma_wait3A_265 : memref<10112x32xf32, #tpu.memory_space<vmem_shared>>) dst(%dma_wait3A_259 : memref<128x32xf32, #tpu.memory_space<vmem>>)
      %run_scoped3A_266 = arith.constant 3 : i32
      "tpu.region"() ({
        %run_scoped3A_283 = tpu.sem_alloc : memref<!tpu.dma_semaphore, #tpu.memory_space<semaphore_mem>>
        %dma_start3A_284 = arith.constant 0 : i32
        %dma_start3A_285 = arith.constant 0 : i32
        %dma_start3A_286 = tpu.memref_slice %arg7[%run_scoped3A_266, %dma_start3A_284, %dma_start3A_285] : memref<4x128x32xf32, #tpu.memory_space<vmem>> -> memref<1x128x32xf32, #tpu.memory_space<vmem>>
        %dma_start3A_287 = tpu.memref_squeeze %dma_start3A_286 : memref<1x128x32xf32, #tpu.memory_space<vmem>> -> memref<128x32xf32, #tpu.memory_space<vmem>>
        %dma_start3A_288 = arith.constant 0 : i32
        %dma_start3A_289 = tpu.memref_slice %arg6[%add3A_253, %dma_start3A_288] : memref<80x128xi32, #tpu.memory_space<vmem>> -> memref<1x128xi32, #tpu.memory_space<vmem>>
        %dma_start3A_290 = tpu.memref_squeeze %dma_start3A_289 : memref<1x128xi32, #tpu.memory_space<vmem>> -> memref<128xi32, #tpu.memory_space<vmem>>
        %dma_start3A_291 = arith.constant 0 : i32
        %dma_start3A_292 = arith.constant 0 : i32
        %dma_start3A_293 = tpu.memref_slice %arg9[%dma_start3A_291, %dma_start3A_292] : memref<10112x32xf32, #tpu.memory_space<vmem_shared>> -> memref<10112x32xf32, #tpu.memory_space<vmem_shared>>
        tpu.enqueue_indirect_dma source(%dma_start3A_287 : memref<128x32xf32, #tpu.memory_space<vmem>>) target(%dma_start3A_293 : memref<10112x32xf32, #tpu.memory_space<vmem_shared>>) offsets(%dma_start3A_290 : memref<128xi32, #tpu.memory_space<vmem>>) semaphore(%run_scoped3A_283 : memref<!tpu.dma_semaphore, #tpu.memory_space<semaphore_mem>>) {add = true}
        %dma_wait3A_294 = arith.constant 0 : i32
        %dma_wait3A_295 = arith.constant 0 : i32
        %dma_wait3A_296 = tpu.memref_slice %arg7[%run_scoped3A_266, %dma_wait3A_294, %dma_wait3A_295] : memref<4x128x32xf32, #tpu.memory_space<vmem>> -> memref<1x128x32xf32, #tpu.memory_space<vmem>>
        %dma_wait3A_297 = tpu.memref_squeeze %dma_wait3A_296 : memref<1x128x32xf32, #tpu.memory_space<vmem>> -> memref<128x32xf32, #tpu.memory_space<vmem>>
        %dma_wait3A_298 = arith.constant 0 : i32
        %dma_wait3A_299 = tpu.memref_slice %arg6[%add3A_253, %dma_wait3A_298] : memref<80x128xi32, #tpu.memory_space<vmem>> -> memref<1x128xi32, #tpu.memory_space<vmem>>
        %dma_wait3A_300 = tpu.memref_squeeze %dma_wait3A_299 : memref<1x128xi32, #tpu.memory_space<vmem>> -> memref<128xi32, #tpu.memory_space<vmem>>
        %dma_wait3A_301 = arith.constant 0 : i32
        %dma_wait3A_302 = arith.constant 0 : i32
        %dma_wait3A_303 = tpu.memref_slice %arg9[%dma_wait3A_301, %dma_wait3A_302] : memref<10112x32xf32, #tpu.memory_space<vmem_shared>> -> memref<10112x32xf32, #tpu.memory_space<vmem_shared>>
        tpu.wait_indirect_dma semaphore(%run_scoped3A_283 : memref<!tpu.dma_semaphore, #tpu.memory_space<semaphore_mem>>) src(%dma_wait3A_297 : memref<128x32xf32, #tpu.memory_space<vmem>>) dst(%dma_wait3A_303 : memref<10112x32xf32, #tpu.memory_space<vmem_shared>>)
        tpu.yield
      }) : () -> ()
      %add3A_267 = arith.constant 4 : i32
      %add3A_268 = arith.addi %add3A_253, %add3A_267 : i32
      %sub3A_269 = arith.constant 1 : i32
      %sub3A_270 = arith.subi %select_n3A, %sub3A_269 : i32
      %min3A_271 = arith.minsi %add3A_268, %sub3A_270 : i32
      %dma_start3A_272 = arith.constant 3 : i32
      %dma_start3A_273 = arith.constant 0 : i32
      %dma_start3A_274 = arith.constant 0 : i32
      %dma_start3A_275 = tpu.memref_slice %arg7[%dma_start3A_272, %dma_start3A_273, %dma_start3A_274] : memref<4x128x32xf32, #tpu.memory_space<vmem>> -> memref<1x128x32xf32, #tpu.memory_space<vmem>>
      %dma_start3A_276 = tpu.memref_squeeze %dma_start3A_275 : memref<1x128x32xf32, #tpu.memory_space<vmem>> -> memref<128x32xf32, #tpu.memory_space<vmem>>
      %dma_start3A_277 = arith.constant 0 : i32
      %dma_start3A_278 = tpu.memref_slice %arg5[%min3A_271, %dma_start3A_277] : memref<80x128xi32, #tpu.memory_space<vmem>> -> memref<1x128xi32, #tpu.memory_space<vmem>>
      %dma_start3A_279 = tpu.memref_squeeze %dma_start3A_278 : memref<1x128xi32, #tpu.memory_space<vmem>> -> memref<128xi32, #tpu.memory_space<vmem>>
      %dma_start3A_280 = arith.constant 0 : i32
      %dma_start3A_281 = arith.constant 0 : i32
      %dma_start3A_282 = tpu.memref_slice %arg10[%dma_start3A_280, %dma_start3A_281] : memref<10112x32xf32, #tpu.memory_space<vmem_shared>> -> memref<10112x32xf32, #tpu.memory_space<vmem_shared>>
      tpu.enqueue_indirect_dma source(%dma_start3A_282 : memref<10112x32xf32, #tpu.memory_space<vmem_shared>>) target(%dma_start3A_276 : memref<128x32xf32, #tpu.memory_space<vmem>>) offsets(%dma_start3A_279 : memref<128xi32, #tpu.memory_space<vmem>>) semaphore(%arg14 : memref<!tpu.dma_semaphore, #tpu.memory_space<semaphore_mem>>)
    }
    %while3A_97 = arith.constant 1 : i32
    scf.for %while3A_150 = %while3A_95 to %while3A_91 step %while3A_97  : i32 {
      %mul3A_151 = arith.constant 4 : i32
      %mul3A_152 = arith.muli %while3A_150, %mul3A_151 : i32
      %add3A_153 = arith.constant 0 : i32
      %add3A_154 = arith.addi %mul3A_152, %add3A_153 : i32
      %dma_wait3A_155 = arith.constant 0 : i32
      %dma_wait3A_156 = arith.constant 0 : i32
      %dma_wait3A_157 = arith.constant 0 : i32
      %dma_wait3A_158 = arith.constant 0 : i32
      %dma_wait3A_159 = tpu.memref_slice %arg7[%dma_wait3A_156, %dma_wait3A_157, %dma_wait3A_158] : memref<4x128x32xf32, #tpu.memory_space<vmem>> -> memref<1x128x32xf32, #tpu.memory_space<vmem>>
      %dma_wait3A_160 = tpu.memref_squeeze %dma_wait3A_159 : memref<1x128x32xf32, #tpu.memory_space<vmem>> -> memref<128x32xf32, #tpu.memory_space<vmem>>
      %dma_wait3A_161 = arith.constant 0 : i32
      %dma_wait3A_162 = tpu.memref_slice %arg5[%dma_wait3A_155, %dma_wait3A_161] : memref<80x128xi32, #tpu.memory_space<vmem>> -> memref<1x128xi32, #tpu.memory_space<vmem>>
      %dma_wait3A_163 = tpu.memref_squeeze %dma_wait3A_162 : memref<1x128xi32, #tpu.memory_space<vmem>> -> memref<128xi32, #tpu.memory_space<vmem>>
      %dma_wait3A_164 = arith.constant 0 : i32
      %dma_wait3A_165 = arith.constant 0 : i32
      %dma_wait3A_166 = tpu.memref_slice %arg10[%dma_wait3A_164, %dma_wait3A_165] : memref<10112x32xf32, #tpu.memory_space<vmem_shared>> -> memref<10112x32xf32, #tpu.memory_space<vmem_shared>>
      tpu.wait_indirect_dma semaphore(%arg11 : memref<!tpu.dma_semaphore, #tpu.memory_space<semaphore_mem>>) src(%dma_wait3A_166 : memref<10112x32xf32, #tpu.memory_space<vmem_shared>>) dst(%dma_wait3A_160 : memref<128x32xf32, #tpu.memory_space<vmem>>)
      %run_scoped3A_167 = arith.constant 0 : i32
      "tpu.region"() ({
        %run_scoped3A_283 = tpu.sem_alloc : memref<!tpu.dma_semaphore, #tpu.memory_space<semaphore_mem>>
        %dma_start3A_284 = arith.constant 0 : i32
        %dma_start3A_285 = arith.constant 0 : i32
        %dma_start3A_286 = tpu.memref_slice %arg7[%run_scoped3A_167, %dma_start3A_284, %dma_start3A_285] : memref<4x128x32xf32, #tpu.memory_space<vmem>> -> memref<1x128x32xf32, #tpu.memory_space<vmem>>
        %dma_start3A_287 = tpu.memref_squeeze %dma_start3A_286 : memref<1x128x32xf32, #tpu.memory_space<vmem>> -> memref<128x32xf32, #tpu.memory_space<vmem>>
        %dma_start3A_288 = arith.constant 0 : i32
        %dma_start3A_289 = tpu.memref_slice %arg6[%add3A_154, %dma_start3A_288] : memref<80x128xi32, #tpu.memory_space<vmem>> -> memref<1x128xi32, #tpu.memory_space<vmem>>
        %dma_start3A_290 = tpu.memref_squeeze %dma_start3A_289 : memref<1x128xi32, #tpu.memory_space<vmem>> -> memref<128xi32, #tpu.memory_space<vmem>>
        %dma_start3A_291 = arith.constant 0 : i32
        %dma_start3A_292 = arith.constant 0 : i32
        %dma_start3A_293 = tpu.memref_slice %arg9[%dma_start3A_291, %dma_start3A_292] : memref<10112x32xf32, #tpu.memory_space<vmem_shared>> -> memref<10112x32xf32, #tpu.memory_space<vmem_shared>>
        tpu.enqueue_indirect_dma source(%dma_start3A_287 : memref<128x32xf32, #tpu.memory_space<vmem>>) target(%dma_start3A_293 : memref<10112x32xf32, #tpu.memory_space<vmem_shared>>) offsets(%dma_start3A_290 : memref<128xi32, #tpu.memory_space<vmem>>) semaphore(%run_scoped3A_283 : memref<!tpu.dma_semaphore, #tpu.memory_space<semaphore_mem>>) {add = true}
        %dma_wait3A_294 = arith.constant 0 : i32
        %dma_wait3A_295 = arith.constant 0 : i32
        %dma_wait3A_296 = tpu.memref_slice %arg7[%run_scoped3A_167, %dma_wait3A_294, %dma_wait3A_295] : memref<4x128x32xf32, #tpu.memory_space<vmem>> -> memref<1x128x32xf32, #tpu.memory_space<vmem>>
        %dma_wait3A_297 = tpu.memref_squeeze %dma_wait3A_296 : memref<1x128x32xf32, #tpu.memory_space<vmem>> -> memref<128x32xf32, #tpu.memory_space<vmem>>
        %dma_wait3A_298 = arith.constant 0 : i32
        %dma_wait3A_299 = tpu.memref_slice %arg6[%add3A_154, %dma_wait3A_298] : memref<80x128xi32, #tpu.memory_space<vmem>> -> memref<1x128xi32, #tpu.memory_space<vmem>>
        %dma_wait3A_300 = tpu.memref_squeeze %dma_wait3A_299 : memref<1x128xi32, #tpu.memory_space<vmem>> -> memref<128xi32, #tpu.memory_space<vmem>>
        %dma_wait3A_301 = arith.constant 0 : i32
        %dma_wait3A_302 = arith.constant 0 : i32
        %dma_wait3A_303 = tpu.memref_slice %arg9[%dma_wait3A_301, %dma_wait3A_302] : memref<10112x32xf32, #tpu.memory_space<vmem_shared>> -> memref<10112x32xf32, #tpu.memory_space<vmem_shared>>
        tpu.wait_indirect_dma semaphore(%run_scoped3A_283 : memref<!tpu.dma_semaphore, #tpu.memory_space<semaphore_mem>>) src(%dma_wait3A_297 : memref<128x32xf32, #tpu.memory_space<vmem>>) dst(%dma_wait3A_303 : memref<10112x32xf32, #tpu.memory_space<vmem_shared>>)
        tpu.yield
      }) : () -> ()
      %add3A_168 = arith.constant 4 : i32
      %add3A_169 = arith.addi %add3A_154, %add3A_168 : i32
      %sub3A_170 = arith.constant 1 : i32
      %sub3A_171 = arith.subi %select_n3A, %sub3A_170 : i32
      %min3A_172 = arith.minsi %add3A_169, %sub3A_171 : i32
      %dma_start3A_173 = arith.constant 0 : i32
      %dma_start3A_174 = arith.constant 0 : i32
      %dma_start3A_175 = arith.constant 0 : i32
      %dma_start3A_176 = tpu.memref_slice %arg7[%dma_start3A_173, %dma_start3A_174, %dma_start3A_175] : memref<4x128x32xf32, #tpu.memory_space<vmem>> -> memref<1x128x32xf32, #tpu.memory_space<vmem>>
      %dma_start3A_177 = tpu.memref_squeeze %dma_start3A_176 : memref<1x128x32xf32, #tpu.memory_space<vmem>> -> memref<128x32xf32, #tpu.memory_space<vmem>>
      %dma_start3A_178 = arith.constant 0 : i32
      %dma_start3A_179 = tpu.memref_slice %arg5[%min3A_172, %dma_start3A_178] : memref<80x128xi32, #tpu.memory_space<vmem>> -> memref<1x128xi32, #tpu.memory_space<vmem>>
      %dma_start3A_180 = tpu.memref_squeeze %dma_start3A_179 : memref<1x128xi32, #tpu.memory_space<vmem>> -> memref<128xi32, #tpu.memory_space<vmem>>
      %dma_start3A_181 = arith.constant 0 : i32
      %dma_start3A_182 = arith.constant 0 : i32
      %dma_start3A_183 = tpu.memref_slice %arg10[%dma_start3A_181, %dma_start3A_182] : memref<10112x32xf32, #tpu.memory_space<vmem_shared>> -> memref<10112x32xf32, #tpu.memory_space<vmem_shared>>
      tpu.enqueue_indirect_dma source(%dma_start3A_183 : memref<10112x32xf32, #tpu.memory_space<vmem_shared>>) target(%dma_start3A_177 : memref<128x32xf32, #tpu.memory_space<vmem>>) offsets(%dma_start3A_180 : memref<128xi32, #tpu.memory_space<vmem>>) semaphore(%arg11 : memref<!tpu.dma_semaphore, #tpu.memory_space<semaphore_mem>>)
      %mul3A_184 = arith.constant 4 : i32
      %mul3A_185 = arith.muli %while3A_150, %mul3A_184 : i32
      %add3A_186 = arith.constant 1 : i32
      %add3A_187 = arith.addi %mul3A_185, %add3A_186 : i32
      %dma_wait3A_188 = arith.constant 0 : i32
      %dma_wait3A_189 = arith.constant 1 : i32
      %dma_wait3A_190 = arith.constant 0 : i32
      %dma_wait3A_191 = arith.constant 0 : i32
      %dma_wait3A_192 = tpu.memref_slice %arg7[%dma_wait3A_189, %dma_wait3A_190, %dma_wait3A_191] : memref<4x128x32xf32, #tpu.memory_space<vmem>> -> memref<1x128x32xf32, #tpu.memory_space<vmem>>
      %dma_wait3A_193 = tpu.memref_squeeze %dma_wait3A_192 : memref<1x128x32xf32, #tpu.memory_space<vmem>> -> memref<128x32xf32, #tpu.memory_space<vmem>>
      %dma_wait3A_194 = arith.constant 0 : i32
      %dma_wait3A_195 = tpu.memref_slice %arg5[%dma_wait3A_188, %dma_wait3A_194] : memref<80x128xi32, #tpu.memory_space<vmem>> -> memref<1x128xi32, #tpu.memory_space<vmem>>
      %dma_wait3A_196 = tpu.memref_squeeze %dma_wait3A_195 : memref<1x128xi32, #tpu.memory_space<vmem>> -> memref<128xi32, #tpu.memory_space<vmem>>
      %dma_wait3A_197 = arith.constant 0 : i32
      %dma_wait3A_198 = arith.constant 0 : i32
      %dma_wait3A_199 = tpu.memref_slice %arg10[%dma_wait3A_197, %dma_wait3A_198] : memref<10112x32xf32, #tpu.memory_space<vmem_shared>> -> memref<10112x32xf32, #tpu.memory_space<vmem_shared>>
      tpu.wait_indirect_dma semaphore(%arg12 : memref<!tpu.dma_semaphore, #tpu.memory_space<semaphore_mem>>) src(%dma_wait3A_199 : memref<10112x32xf32, #tpu.memory_space<vmem_shared>>) dst(%dma_wait3A_193 : memref<128x32xf32, #tpu.memory_space<vmem>>)
      %run_scoped3A_200 = arith.constant 1 : i32
      "tpu.region"() ({
        %run_scoped3A_283 = tpu.sem_alloc : memref<!tpu.dma_semaphore, #tpu.memory_space<semaphore_mem>>
        %dma_start3A_284 = arith.constant 0 : i32
        %dma_start3A_285 = arith.constant 0 : i32
        %dma_start3A_286 = tpu.memref_slice %arg7[%run_scoped3A_200, %dma_start3A_284, %dma_start3A_285] : memref<4x128x32xf32, #tpu.memory_space<vmem>> -> memref<1x128x32xf32, #tpu.memory_space<vmem>>
        %dma_start3A_287 = tpu.memref_squeeze %dma_start3A_286 : memref<1x128x32xf32, #tpu.memory_space<vmem>> -> memref<128x32xf32, #tpu.memory_space<vmem>>
        %dma_start3A_288 = arith.constant 0 : i32
        %dma_start3A_289 = tpu.memref_slice %arg6[%add3A_187, %dma_start3A_288] : memref<80x128xi32, #tpu.memory_space<vmem>> -> memref<1x128xi32, #tpu.memory_space<vmem>>
        %dma_start3A_290 = tpu.memref_squeeze %dma_start3A_289 : memref<1x128xi32, #tpu.memory_space<vmem>> -> memref<128xi32, #tpu.memory_space<vmem>>
        %dma_start3A_291 = arith.constant 0 : i32
        %dma_start3A_292 = arith.constant 0 : i32
        %dma_start3A_293 = tpu.memref_slice %arg9[%dma_start3A_291, %dma_start3A_292] : memref<10112x32xf32, #tpu.memory_space<vmem_shared>> -> memref<10112x32xf32, #tpu.memory_space<vmem_shared>>
        tpu.enqueue_indirect_dma source(%dma_start3A_287 : memref<128x32xf32, #tpu.memory_space<vmem>>) target(%dma_start3A_293 : memref<10112x32xf32, #tpu.memory_space<vmem_shared>>) offsets(%dma_start3A_290 : memref<128xi32, #tpu.memory_space<vmem>>) semaphore(%run_scoped3A_283 : memref<!tpu.dma_semaphore, #tpu.memory_space<semaphore_mem>>) {add = true}
        %dma_wait3A_294 = arith.constant 0 : i32
        %dma_wait3A_295 = arith.constant 0 : i32
        %dma_wait3A_296 = tpu.memref_slice %arg7[%run_scoped3A_200, %dma_wait3A_294, %dma_wait3A_295] : memref<4x128x32xf32, #tpu.memory_space<vmem>> -> memref<1x128x32xf32, #tpu.memory_space<vmem>>
        %dma_wait3A_297 = tpu.memref_squeeze %dma_wait3A_296 : memref<1x128x32xf32, #tpu.memory_space<vmem>> -> memref<128x32xf32, #tpu.memory_space<vmem>>
        %dma_wait3A_298 = arith.constant 0 : i32
        %dma_wait3A_299 = tpu.memref_slice %arg6[%add3A_187, %dma_wait3A_298] : memref<80x128xi32, #tpu.memory_space<vmem>> -> memref<1x128xi32, #tpu.memory_space<vmem>>
        %dma_wait3A_300 = tpu.memref_squeeze %dma_wait3A_299 : memref<1x128xi32, #tpu.memory_space<vmem>> -> memref<128xi32, #tpu.memory_space<vmem>>
        %dma_wait3A_301 = arith.constant 0 : i32
        %dma_wait3A_302 = arith.constant 0 : i32
        %dma_wait3A_303 = tpu.memref_slice %arg9[%dma_wait3A_301, %dma_wait3A_302] : memref<10112x32xf32, #tpu.memory_space<vmem_shared>> -> memref<10112x32xf32, #tpu.memory_space<vmem_shared>>
        tpu.wait_indirect_dma semaphore(%run_scoped3A_283 : memref<!tpu.dma_semaphore, #tpu.memory_space<semaphore_mem>>) src(%dma_wait3A_297 : memref<128x32xf32, #tpu.memory_space<vmem>>) dst(%dma_wait3A_303 : memref<10112x32xf32, #tpu.memory_space<vmem_shared>>)
        tpu.yield
      }) : () -> ()
      %add3A_201 = arith.constant 4 : i32
      %add3A_202 = arith.addi %add3A_187, %add3A_201 : i32
      %sub3A_203 = arith.constant 1 : i32
      %sub3A_204 = arith.subi %select_n3A, %sub3A_203 : i32
      %min3A_205 = arith.minsi %add3A_202, %sub3A_204 : i32
      %dma_start3A_206 = arith.constant 1 : i32
      %dma_start3A_207 = arith.constant 0 : i32
      %dma_start3A_208 = arith.constant 0 : i32
      %dma_start3A_209 = tpu.memref_slice %arg7[%dma_start3A_206, %dma_start3A_207, %dma_start3A_208] : memref<4x128x32xf32, #tpu.memory_space<vmem>> -> memref<1x128x32xf32, #tpu.memory_space<vmem>>
      %dma_start3A_210 = tpu.memref_squeeze %dma_start3A_209 : memref<1x128x32xf32, #tpu.memory_space<vmem>> -> memref<128x32xf32, #tpu.memory_space<vmem>>
      %dma_start3A_211 = arith.constant 0 : i32
      %dma_start3A_212 = tpu.memref_slice %arg5[%min3A_205, %dma_start3A_211] : memref<80x128xi32, #tpu.memory_space<vmem>> -> memref<1x128xi32, #tpu.memory_space<vmem>>
      %dma_start3A_213 = tpu.memref_squeeze %dma_start3A_212 : memref<1x128xi32, #tpu.memory_space<vmem>> -> memref<128xi32, #tpu.memory_space<vmem>>
      %dma_start3A_214 = arith.constant 0 : i32
      %dma_start3A_215 = arith.constant 0 : i32
      %dma_start3A_216 = tpu.memref_slice %arg10[%dma_start3A_214, %dma_start3A_215] : memref<10112x32xf32, #tpu.memory_space<vmem_shared>> -> memref<10112x32xf32, #tpu.memory_space<vmem_shared>>
      tpu.enqueue_indirect_dma source(%dma_start3A_216 : memref<10112x32xf32, #tpu.memory_space<vmem_shared>>) target(%dma_start3A_210 : memref<128x32xf32, #tpu.memory_space<vmem>>) offsets(%dma_start3A_213 : memref<128xi32, #tpu.memory_space<vmem>>) semaphore(%arg12 : memref<!tpu.dma_semaphore, #tpu.memory_space<semaphore_mem>>)
      %mul3A_217 = arith.constant 4 : i32
      %mul3A_218 = arith.muli %while3A_150, %mul3A_217 : i32
      %add3A_219 = arith.constant 2 : i32
      %add3A_220 = arith.addi %mul3A_218, %add3A_219 : i32
      %dma_wait3A_221 = arith.constant 0 : i32
      %dma_wait3A_222 = arith.constant 2 : i32
      %dma_wait3A_223 = arith.constant 0 : i32
      %dma_wait3A_224 = arith.constant 0 : i32
      %dma_wait3A_225 = tpu.memref_slice %arg7[%dma_wait3A_222, %dma_wait3A_223, %dma_wait3A_224] : memref<4x128x32xf32, #tpu.memory_space<vmem>> -> memref<1x128x32xf32, #tpu.memory_space<vmem>>
      %dma_wait3A_226 = tpu.memref_squeeze %dma_wait3A_225 : memref<1x128x32xf32, #tpu.memory_space<vmem>> -> memref<128x32xf32, #tpu.memory_space<vmem>>
      %dma_wait3A_227 = arith.constant 0 : i32
      %dma_wait3A_228 = tpu.memref_slice %arg5[%dma_wait3A_221, %dma_wait3A_227] : memref<80x128xi32, #tpu.memory_space<vmem>> -> memref<1x128xi32, #tpu.memory_space<vmem>>
      %dma_wait3A_229 = tpu.memref_squeeze %dma_wait3A_228 : memref<1x128xi32, #tpu.memory_space<vmem>> -> memref<128xi32, #tpu.memory_space<vmem>>
      %dma_wait3A_230 = arith.constant 0 : i32
      %dma_wait3A_231 = arith.constant 0 : i32
      %dma_wait3A_232 = tpu.memref_slice %arg10[%dma_wait3A_230, %dma_wait3A_231] : memref<10112x32xf32, #tpu.memory_space<vmem_shared>> -> memref<10112x32xf32, #tpu.memory_space<vmem_shared>>
      tpu.wait_indirect_dma semaphore(%arg13 : memref<!tpu.dma_semaphore, #tpu.memory_space<semaphore_mem>>) src(%dma_wait3A_232 : memref<10112x32xf32, #tpu.memory_space<vmem_shared>>) dst(%dma_wait3A_226 : memref<128x32xf32, #tpu.memory_space<vmem>>)
      %run_scoped3A_233 = arith.constant 2 : i32
      "tpu.region"() ({
        %run_scoped3A_283 = tpu.sem_alloc : memref<!tpu.dma_semaphore, #tpu.memory_space<semaphore_mem>>
        %dma_start3A_284 = arith.constant 0 : i32
        %dma_start3A_285 = arith.constant 0 : i32
        %dma_start3A_286 = tpu.memref_slice %arg7[%run_scoped3A_233, %dma_start3A_284, %dma_start3A_285] : memref<4x128x32xf32, #tpu.memory_space<vmem>> -> memref<1x128x32xf32, #tpu.memory_space<vmem>>
        %dma_start3A_287 = tpu.memref_squeeze %dma_start3A_286 : memref<1x128x32xf32, #tpu.memory_space<vmem>> -> memref<128x32xf32, #tpu.memory_space<vmem>>
        %dma_start3A_288 = arith.constant 0 : i32
        %dma_start3A_289 = tpu.memref_slice %arg6[%add3A_220, %dma_start3A_288] : memref<80x128xi32, #tpu.memory_space<vmem>> -> memref<1x128xi32, #tpu.memory_space<vmem>>
        %dma_start3A_290 = tpu.memref_squeeze %dma_start3A_289 : memref<1x128xi32, #tpu.memory_space<vmem>> -> memref<128xi32, #tpu.memory_space<vmem>>
        %dma_start3A_291 = arith.constant 0 : i32
        %dma_start3A_292 = arith.constant 0 : i32
        %dma_start3A_293 = tpu.memref_slice %arg9[%dma_start3A_291, %dma_start3A_292] : memref<10112x32xf32, #tpu.memory_space<vmem_shared>> -> memref<10112x32xf32, #tpu.memory_space<vmem_shared>>
        tpu.enqueue_indirect_dma source(%dma_start3A_287 : memref<128x32xf32, #tpu.memory_space<vmem>>) target(%dma_start3A_293 : memref<10112x32xf32, #tpu.memory_space<vmem_shared>>) offsets(%dma_start3A_290 : memref<128xi32, #tpu.memory_space<vmem>>) semaphore(%run_scoped3A_283 : memref<!tpu.dma_semaphore, #tpu.memory_space<semaphore_mem>>) {add = true}
        %dma_wait3A_294 = arith.constant 0 : i32
        %dma_wait3A_295 = arith.constant 0 : i32
        %dma_wait3A_296 = tpu.memref_slice %arg7[%run_scoped3A_233, %dma_wait3A_294, %dma_wait3A_295] : memref<4x128x32xf32, #tpu.memory_space<vmem>> -> memref<1x128x32xf32, #tpu.memory_space<vmem>>
        %dma_wait3A_297 = tpu.memref_squeeze %dma_wait3A_296 : memref<1x128x32xf32, #tpu.memory_space<vmem>> -> memref<128x32xf32, #tpu.memory_space<vmem>>
        %dma_wait3A_298 = arith.constant 0 : i32
        %dma_wait3A_299 = tpu.memref_slice %arg6[%add3A_220, %dma_wait3A_298] : memref<80x128xi32, #tpu.memory_space<vmem>> -> memref<1x128xi32, #tpu.memory_space<vmem>>
        %dma_wait3A_300 = tpu.memref_squeeze %dma_wait3A_299 : memref<1x128xi32, #tpu.memory_space<vmem>> -> memref<128xi32, #tpu.memory_space<vmem>>
        %dma_wait3A_301 = arith.constant 0 : i32
        %dma_wait3A_302 = arith.constant 0 : i32
        %dma_wait3A_303 = tpu.memref_slice %arg9[%dma_wait3A_301, %dma_wait3A_302] : memref<10112x32xf32, #tpu.memory_space<vmem_shared>> -> memref<10112x32xf32, #tpu.memory_space<vmem_shared>>
        tpu.wait_indirect_dma semaphore(%run_scoped3A_283 : memref<!tpu.dma_semaphore, #tpu.memory_space<semaphore_mem>>) src(%dma_wait3A_297 : memref<128x32xf32, #tpu.memory_space<vmem>>) dst(%dma_wait3A_303 : memref<10112x32xf32, #tpu.memory_space<vmem_shared>>)
        tpu.yield
      }) : () -> ()
      %add3A_234 = arith.constant 4 : i32
      %add3A_235 = arith.addi %add3A_220, %add3A_234 : i32
      %sub3A_236 = arith.constant 1 : i32
      %sub3A_237 = arith.subi %select_n3A, %sub3A_236 : i32
      %min3A_238 = arith.minsi %add3A_235, %sub3A_237 : i32
      %dma_start3A_239 = arith.constant 2 : i32
      %dma_start3A_240 = arith.constant 0 : i32
      %dma_start3A_241 = arith.constant 0 : i32
      %dma_start3A_242 = tpu.memref_slice %arg7[%dma_start3A_239, %dma_start3A_240, %dma_start3A_241] : memref<4x128x32xf32, #tpu.memory_space<vmem>> -> memref<1x128x32xf32, #tpu.memory_space<vmem>>
      %dma_start3A_243 = tpu.memref_squeeze %dma_start3A_242 : memref<1x128x32xf32, #tpu.memory_space<vmem>> -> memref<128x32xf32, #tpu.memory_space<vmem>>
      %dma_start3A_244 = arith.constant 0 : i32
      %dma_start3A_245 = tpu.memref_slice %arg5[%min3A_238, %dma_start3A_244] : memref<80x128xi32, #tpu.memory_space<vmem>> -> memref<1x128xi32, #tpu.memory_space<vmem>>
      %dma_start3A_246 = tpu.memref_squeeze %dma_start3A_245 : memref<1x128xi32, #tpu.memory_space<vmem>> -> memref<128xi32, #tpu.memory_space<vmem>>
      %dma_start3A_247 = arith.constant 0 : i32
      %dma_start3A_248 = arith.constant 0 : i32
      %dma_start3A_249 = tpu.memref_slice %arg10[%dma_start3A_247, %dma_start3A_248] : memref<10112x32xf32, #tpu.memory_space<vmem_shared>> -> memref<10112x32xf32, #tpu.memory_space<vmem_shared>>
      tpu.enqueue_indirect_dma source(%dma_start3A_249 : memref<10112x32xf32, #tpu.memory_space<vmem_shared>>) target(%dma_start3A_243 : memref<128x32xf32, #tpu.memory_space<vmem>>) offsets(%dma_start3A_246 : memref<128xi32, #tpu.memory_space<vmem>>) semaphore(%arg13 : memref<!tpu.dma_semaphore, #tpu.memory_space<semaphore_mem>>)
      %mul3A_250 = arith.constant 4 : i32
      %mul3A_251 = arith.muli %while3A_150, %mul3A_250 : i32
      %add3A_252 = arith.constant 3 : i32
      %add3A_253 = arith.addi %mul3A_251, %add3A_252 : i32
      %dma_wait3A_254 = arith.constant 0 : i32
      %dma_wait3A_255 = arith.constant 3 : i32
      %dma_wait3A_256 = arith.constant 0 : i32
      %dma_wait3A_257 = arith.constant 0 : i32
      %dma_wait3A_258 = tpu.memref_slice %arg7[%dma_wait3A_255, %dma_wait3A_256, %dma_wait3A_257] : memref<4x128x32xf32, #tpu.memory_space<vmem>> -> memref<1x128x32xf32, #tpu.memory_space<vmem>>
      %dma_wait3A_259 = tpu.memref_squeeze %dma_wait3A_258 : memref<1x128x32xf32, #tpu.memory_space<vmem>> -> memref<128x32xf32, #tpu.memory_space<vmem>>
      %dma_wait3A_260 = arith.constant 0 : i32
      %dma_wait3A_261 = tpu.memref_slice %arg5[%dma_wait3A_254, %dma_wait3A_260] : memref<80x128xi32, #tpu.memory_space<vmem>> -> memref<1x128xi32, #tpu.memory_space<vmem>>
      %dma_wait3A_262 = tpu.memref_squeeze %dma_wait3A_261 : memref<1x128xi32, #tpu.memory_space<vmem>> -> memref<128xi32, #tpu.memory_space<vmem>>
      %dma_wait3A_263 = arith.constant 0 : i32
      %dma_wait3A_264 = arith.constant 0 : i32
      %dma_wait3A_265 = tpu.memref_slice %arg10[%dma_wait3A_263, %dma_wait3A_264] : memref<10112x32xf32, #tpu.memory_space<vmem_shared>> -> memref<10112x32xf32, #tpu.memory_space<vmem_shared>>
      tpu.wait_indirect_dma semaphore(%arg14 : memref<!tpu.dma_semaphore, #tpu.memory_space<semaphore_mem>>) src(%dma_wait3A_265 : memref<10112x32xf32, #tpu.memory_space<vmem_shared>>) dst(%dma_wait3A_259 : memref<128x32xf32, #tpu.memory_space<vmem>>)
      %run_scoped3A_266 = arith.constant 3 : i32
      "tpu.region"() ({
        %run_scoped3A_283 = tpu.sem_alloc : memref<!tpu.dma_semaphore, #tpu.memory_space<semaphore_mem>>
        %dma_start3A_284 = arith.constant 0 : i32
        %dma_start3A_285 = arith.constant 0 : i32
        %dma_start3A_286 = tpu.memref_slice %arg7[%run_scoped3A_266, %dma_start3A_284, %dma_start3A_285] : memref<4x128x32xf32, #tpu.memory_space<vmem>> -> memref<1x128x32xf32, #tpu.memory_space<vmem>>
        %dma_start3A_287 = tpu.memref_squeeze %dma_start3A_286 : memref<1x128x32xf32, #tpu.memory_space<vmem>> -> memref<128x32xf32, #tpu.memory_space<vmem>>
        %dma_start3A_288 = arith.constant 0 : i32
        %dma_start3A_289 = tpu.memref_slice %arg6[%add3A_253, %dma_start3A_288] : memref<80x128xi32, #tpu.memory_space<vmem>> -> memref<1x128xi32, #tpu.memory_space<vmem>>
        %dma_start3A_290 = tpu.memref_squeeze %dma_start3A_289 : memref<1x128xi32, #tpu.memory_space<vmem>> -> memref<128xi32, #tpu.memory_space<vmem>>
        %dma_start3A_291 = arith.constant 0 : i32
        %dma_start3A_292 = arith.constant 0 : i32
        %dma_start3A_293 = tpu.memref_slice %arg9[%dma_start3A_291, %dma_start3A_292] : memref<10112x32xf32, #tpu.memory_space<vmem_shared>> -> memref<10112x32xf32, #tpu.memory_space<vmem_shared>>
        tpu.enqueue_indirect_dma source(%dma_start3A_287 : memref<128x32xf32, #tpu.memory_space<vmem>>) target(%dma_start3A_293 : memref<10112x32xf32, #tpu.memory_space<vmem_shared>>) offsets(%dma_start3A_290 : memref<128xi32, #tpu.memory_space<vmem>>) semaphore(%run_scoped3A_283 : memref<!tpu.dma_semaphore, #tpu.memory_space<semaphore_mem>>) {add = true}
        %dma_wait3A_294 = arith.constant 0 : i32
        %dma_wait3A_295 = arith.constant 0 : i32
        %dma_wait3A_296 = tpu.memref_slice %arg7[%run_scoped3A_266, %dma_wait3A_294, %dma_wait3A_295] : memref<4x128x32xf32, #tpu.memory_space<vmem>> -> memref<1x128x32xf32, #tpu.memory_space<vmem>>
        %dma_wait3A_297 = tpu.memref_squeeze %dma_wait3A_296 : memref<1x128x32xf32, #tpu.memory_space<vmem>> -> memref<128x32xf32, #tpu.memory_space<vmem>>
        %dma_wait3A_298 = arith.constant 0 : i32
        %dma_wait3A_299 = tpu.memref_slice %arg6[%add3A_253, %dma_wait3A_298] : memref<80x128xi32, #tpu.memory_space<vmem>> -> memref<1x128xi32, #tpu.memory_space<vmem>>
        %dma_wait3A_300 = tpu.memref_squeeze %dma_wait3A_299 : memref<1x128xi32, #tpu.memory_space<vmem>> -> memref<128xi32, #tpu.memory_space<vmem>>
        %dma_wait3A_301 = arith.constant 0 : i32
        %dma_wait3A_302 = arith.constant 0 : i32
        %dma_wait3A_303 = tpu.memref_slice %arg9[%dma_wait3A_301, %dma_wait3A_302] : memref<10112x32xf32, #tpu.memory_space<vmem_shared>> -> memref<10112x32xf32, #tpu.memory_space<vmem_shared>>
        tpu.wait_indirect_dma semaphore(%run_scoped3A_283 : memref<!tpu.dma_semaphore, #tpu.memory_space<semaphore_mem>>) src(%dma_wait3A_297 : memref<128x32xf32, #tpu.memory_space<vmem>>) dst(%dma_wait3A_303 : memref<10112x32xf32, #tpu.memory_space<vmem_shared>>)
        tpu.yield
      }) : () -> ()
      %add3A_267 = arith.constant 4 : i32
      %add3A_268 = arith.addi %add3A_253, %add3A_267 : i32
      %sub3A_269 = arith.constant 1 : i32
      %sub3A_270 = arith.subi %select_n3A, %sub3A_269 : i32
      %min3A_271 = arith.minsi %add3A_268, %sub3A_270 : i32
      %dma_start3A_272 = arith.constant 3 : i32
      %dma_start3A_273 = arith.constant 0 : i32
      %dma_start3A_274 = arith.constant 0 : i32
      %dma_start3A_275 = tpu.memref_slice %arg7[%dma_start3A_272, %dma_start3A_273, %dma_start3A_274] : memref<4x128x32xf32, #tpu.memory_space<vmem>> -> memref<1x128x32xf32, #tpu.memory_space<vmem>>
      %dma_start3A_276 = tpu.memref_squeeze %dma_start3A_275 : memref<1x128x32xf32, #tpu.memory_space<vmem>> -> memref<128x32xf32, #tpu.memory_space<vmem>>
      %dma_start3A_277 = arith.constant 0 : i32
      %dma_start3A_278 = tpu.memref_slice %arg5[%min3A_271, %dma_start3A_277] : memref<80x128xi32, #tpu.memory_space<vmem>> -> memref<1x128xi32, #tpu.memory_space<vmem>>
      %dma_start3A_279 = tpu.memref_squeeze %dma_start3A_278 : memref<1x128xi32, #tpu.memory_space<vmem>> -> memref<128xi32, #tpu.memory_space<vmem>>
      %dma_start3A_280 = arith.constant 0 : i32
      %dma_start3A_281 = arith.constant 0 : i32
      %dma_start3A_282 = tpu.memref_slice %arg10[%dma_start3A_280, %dma_start3A_281] : memref<10112x32xf32, #tpu.memory_space<vmem_shared>> -> memref<10112x32xf32, #tpu.memory_space<vmem_shared>>
      tpu.enqueue_indirect_dma source(%dma_start3A_282 : memref<10112x32xf32, #tpu.memory_space<vmem_shared>>) target(%dma_start3A_276 : memref<128x32xf32, #tpu.memory_space<vmem>>) offsets(%dma_start3A_279 : memref<128xi32, #tpu.memory_space<vmem>>) semaphore(%arg14 : memref<!tpu.dma_semaphore, #tpu.memory_space<semaphore_mem>>)
    }
    %dma_wait3A = arith.constant 0 : i32
    %dma_wait3A_98 = arith.constant 0 : i32
    %dma_wait3A_99 = arith.constant 0 : i32
    %dma_wait3A_100 = arith.constant 0 : i32
    %dma_wait3A_101 = tpu.memref_slice %arg7[%dma_wait3A_98, %dma_wait3A_99, %dma_wait3A_100] : memref<4x128x32xf32, #tpu.memory_space<vmem>> -> memref<1x128x32xf32, #tpu.memory_space<vmem>>
    %dma_wait3A_102 = tpu.memref_squeeze %dma_wait3A_101 : memref<1x128x32xf32, #tpu.memory_space<vmem>> -> memref<128x32xf32, #tpu.memory_space<vmem>>
    %dma_wait3A_103 = arith.constant 0 : i32
    %dma_wait3A_104 = tpu.memref_slice %arg5[%dma_wait3A, %dma_wait3A_103] : memref<80x128xi32, #tpu.memory_space<vmem>> -> memref<1x128xi32, #tpu.memory_space<vmem>>
    %dma_wait3A_105 = tpu.memref_squeeze %dma_wait3A_104 : memref<1x128xi32, #tpu.memory_space<vmem>> -> memref<128xi32, #tpu.memory_space<vmem>>
    %dma_wait3A_106 = arith.constant 0 : i32
    %dma_wait3A_107 = arith.constant 0 : i32
    %dma_wait3A_108 = tpu.memref_slice %arg10[%dma_wait3A_106, %dma_wait3A_107] : memref<10112x32xf32, #tpu.memory_space<vmem_shared>> -> memref<10112x32xf32, #tpu.memory_space<vmem_shared>>
    tpu.wait_indirect_dma semaphore(%arg11 : memref<!tpu.dma_semaphore, #tpu.memory_space<semaphore_mem>>) src(%dma_wait3A_108 : memref<10112x32xf32, #tpu.memory_space<vmem_shared>>) dst(%dma_wait3A_102 : memref<128x32xf32, #tpu.memory_space<vmem>>)
    %dma_wait3A_109 = arith.constant 0 : i32
    %dma_wait3A_110 = arith.constant 1 : i32
    %dma_wait3A_111 = arith.constant 0 : i32
    %dma_wait3A_112 = arith.constant 0 : i32
    %dma_wait3A_113 = tpu.memref_slice %arg7[%dma_wait3A_110, %dma_wait3A_111, %dma_wait3A_112] : memref<4x128x32xf32, #tpu.memory_space<vmem>> -> memref<1x128x32xf32, #tpu.memory_space<vmem>>
    %dma_wait3A_114 = tpu.memref_squeeze %dma_wait3A_113 : memref<1x128x32xf32, #tpu.memory_space<vmem>> -> memref<128x32xf32, #tpu.memory_space<vmem>>
    %dma_wait3A_115 = arith.constant 0 : i32
    %dma_wait3A_116 = tpu.memref_slice %arg5[%dma_wait3A_109, %dma_wait3A_115] : memref<80x128xi32, #tpu.memory_space<vmem>> -> memref<1x128xi32, #tpu.memory_space<vmem>>
    %dma_wait3A_117 = tpu.memref_squeeze %dma_wait3A_116 : memref<1x128xi32, #tpu.memory_space<vmem>> -> memref<128xi32, #tpu.memory_space<vmem>>
    %dma_wait3A_118 = arith.constant 0 : i32
    %dma_wait3A_119 = arith.constant 0 : i32
    %dma_wait3A_120 = tpu.memref_slice %arg10[%dma_wait3A_118, %dma_wait3A_119] : memref<10112x32xf32, #tpu.memory_space<vmem_shared>> -> memref<10112x32xf32, #tpu.memory_space<vmem_shared>>
    tpu.wait_indirect_dma semaphore(%arg12 : memref<!tpu.dma_semaphore, #tpu.memory_space<semaphore_mem>>) src(%dma_wait3A_120 : memref<10112x32xf32, #tpu.memory_space<vmem_shared>>) dst(%dma_wait3A_114 : memref<128x32xf32, #tpu.memory_space<vmem>>)
    %dma_wait3A_121 = arith.constant 0 : i32
    %dma_wait3A_122 = arith.constant 2 : i32
    %dma_wait3A_123 = arith.constant 0 : i32
    %dma_wait3A_124 = arith.constant 0 : i32
    %dma_wait3A_125 = tpu.memref_slice %arg7[%dma_wait3A_122, %dma_wait3A_123, %dma_wait3A_124] : memref<4x128x32xf32, #tpu.memory_space<vmem>> -> memref<1x128x32xf32, #tpu.memory_space<vmem>>
    %dma_wait3A_126 = tpu.memref_squeeze %dma_wait3A_125 : memref<1x128x32xf32, #tpu.memory_space<vmem>> -> memref<128x32xf32, #tpu.memory_space<vmem>>
    %dma_wait3A_127 = arith.constant 0 : i32
    %dma_wait3A_128 = tpu.memref_slice %arg5[%dma_wait3A_121, %dma_wait3A_127] : memref<80x128xi32, #tpu.memory_space<vmem>> -> memref<1x128xi32, #tpu.memory_space<vmem>>
    %dma_wait3A_129 = tpu.memref_squeeze %dma_wait3A_128 : memref<1x128xi32, #tpu.memory_space<vmem>> -> memref<128xi32, #tpu.memory_space<vmem>>
    %dma_wait3A_130 = arith.constant 0 : i32
    %dma_wait3A_131 = arith.constant 0 : i32
    %dma_wait3A_132 = tpu.memref_slice %arg10[%dma_wait3A_130, %dma_wait3A_131] : memref<10112x32xf32, #tpu.memory_space<vmem_shared>> -> memref<10112x32xf32, #tpu.memory_space<vmem_shared>>
    tpu.wait_indirect_dma semaphore(%arg13 : memref<!tpu.dma_semaphore, #tpu.memory_space<semaphore_mem>>) src(%dma_wait3A_132 : memref<10112x32xf32, #tpu.memory_space<vmem_shared>>) dst(%dma_wait3A_126 : memref<128x32xf32, #tpu.memory_space<vmem>>)
    %dma_wait3A_133 = arith.constant 0 : i32
    %dma_wait3A_134 = arith.constant 3 : i32
    %dma_wait3A_135 = arith.constant 0 : i32
    %dma_wait3A_136 = arith.constant 0 : i32
    %dma_wait3A_137 = tpu.memref_slice %arg7[%dma_wait3A_134, %dma_wait3A_135, %dma_wait3A_136] : memref<4x128x32xf32, #tpu.memory_space<vmem>> -> memref<1x128x32xf32, #tpu.memory_space<vmem>>
    %dma_wait3A_138 = tpu.memref_squeeze %dma_wait3A_137 : memref<1x128x32xf32, #tpu.memory_space<vmem>> -> memref<128x32xf32, #tpu.memory_space<vmem>>
    %dma_wait3A_139 = arith.constant 0 : i32
    %dma_wait3A_140 = tpu.memref_slice %arg5[%dma_wait3A_133, %dma_wait3A_139] : memref<80x128xi32, #tpu.memory_space<vmem>> -> memref<1x128xi32, #tpu.memory_space<vmem>>
    %dma_wait3A_141 = tpu.memref_squeeze %dma_wait3A_140 : memref<1x128xi32, #tpu.memory_space<vmem>> -> memref<128xi32, #tpu.memory_space<vmem>>
    %dma_wait3A_142 = arith.constant 0 : i32
    %dma_wait3A_143 = arith.constant 0 : i32
    %dma_wait3A_144 = tpu.memref_slice %arg10[%dma_wait3A_142, %dma_wait3A_143] : memref<10112x32xf32, #tpu.memory_space<vmem_shared>> -> memref<10112x32xf32, #tpu.memory_space<vmem_shared>>
    tpu.wait_indirect_dma semaphore(%arg14 : memref<!tpu.dma_semaphore, #tpu.memory_space<semaphore_mem>>) src(%dma_wait3A_144 : memref<10112x32xf32, #tpu.memory_space<vmem_shared>>) dst(%dma_wait3A_138 : memref<128x32xf32, #tpu.memory_space<vmem>>)
    %barrier3A_145 = arith.constant 0 : index
    tpu.barrier barrier_id(%barrier3A_145)
    %mul3A_146 = arith.constant 632 : i32
    %mul3A_147 = arith.muli %arg1, %mul3A_146 : i32
    %mul3A_148 = arith.constant 632 : i32
    %mul3A_149 = arith.muli %arg1, %mul3A_148 : i32
    "tpu.region"() ({
      %run_scoped3A_150 = tpu.sem_alloc : memref<!tpu.dma_semaphore, #tpu.memory_space<semaphore_mem>>
      %dma_start3A_151 = arith.constant 0 : i32
      %dma_start3A_152 = tpu.memref_slice %arg4[%arg0, %mul3A_149, %dma_start3A_151] : memref<2x10112x32xf32, #tpu.memory_space<hbm>> -> memref<1x632x32xf32, #tpu.memory_space<hbm>>
      %dma_start3A_153 = tpu.memref_squeeze %dma_start3A_152 : memref<1x632x32xf32, #tpu.memory_space<hbm>> -> memref<632x32xf32, #tpu.memory_space<hbm>>
      %dma_start3A_154 = arith.constant 0 : i32
      %dma_start3A_155 = tpu.memref_slice %arg9[%mul3A_147, %dma_start3A_154] : memref<10112x32xf32, #tpu.memory_space<vmem_shared>> -> memref<632x32xf32, #tpu.memory_space<vmem_shared>>
      tpu.enqueue_dma source(%dma_start3A_155 : memref<632x32xf32, #tpu.memory_space<vmem_shared>>) target(%dma_start3A_153 : memref<632x32xf32, #tpu.memory_space<hbm>>) target_semaphore(%run_scoped3A_150 : memref<!tpu.dma_semaphore, #tpu.memory_space<semaphore_mem>>)
      %dma_wait3A_156 = arith.constant 0 : i32
      %dma_wait3A_157 = tpu.memref_slice %arg4[%arg0, %mul3A_149, %dma_wait3A_156] : memref<2x10112x32xf32, #tpu.memory_space<hbm>> -> memref<1x632x32xf32, #tpu.memory_space<hbm>>
      %dma_wait3A_158 = tpu.memref_squeeze %dma_wait3A_157 : memref<1x632x32xf32, #tpu.memory_space<hbm>> -> memref<632x32xf32, #tpu.memory_space<hbm>>
      %dma_wait3A_159 = arith.constant 0 : i32
      %dma_wait3A_160 = tpu.memref_slice %arg9[%mul3A_147, %dma_wait3A_159] : memref<10112x32xf32, #tpu.memory_space<vmem_shared>> -> memref<632x32xf32, #tpu.memory_space<vmem_shared>>
      tpu.wait_dma2 semaphore(%run_scoped3A_150 : memref<!tpu.dma_semaphore, #tpu.memory_space<semaphore_mem>>) src(%dma_wait3A_160 : memref<632x32xf32, #tpu.memory_space<vmem_shared>>) dst(%dma_wait3A_158 : memref<632x32xf32, #tpu.memory_space<hbm>>)
      tpu.yield
    }) : () -> ()
    return
  }
}

module attributes {stable_mosaic.version = 14 : i64} {
  func.func @_xw_body(%arg0: memref<10000x128xf32, #tpu.memory_space<vmem>>, %arg1: memref<128x32xf32, #tpu.memory_space<vmem>>, %arg2: memref<10112x32xf32, #tpu.memory_space<vmem>>) attributes {dimension_semantics = [], scalar_prefetch = 0 : i64, scratch_operands = 0 : i64, tpu.core_type = #tpu.core_type<tc>} {
    %get3A = arith.constant 0 : index
    %get3A_0 = arith.constant 0 : index
    %get3A_1 = vector.load %arg0[%get3A, %get3A_0] : memref<10000x128xf32, #tpu.memory_space<vmem>>, vector<10000x128xf32>
    %get3A_2 = arith.constant 0 : index
    %get3A_3 = arith.constant 0 : index
    %get3A_4 = vector.load %arg1[%get3A_2, %get3A_3] : memref<128x32xf32, #tpu.memory_space<vmem>>, vector<128x32xf32>
    %dot_general3A = arith.constant dense<0.000000e+00> : vector<10000x32xf32>
    %dot_general3A_5 = tpu.matmul %get3A_1, %get3A_4, %dot_general3A {dimension_numbers = #tpu.dot_dimension_numbers<[1], [0], [0], [1], [0, 0, 1, 1], [], []>, transpose_lhs_hint = false} : vector<10000x128xf32>, vector<128x32xf32>, vector<10000x32xf32> -> vector<10000x32xf32>
    %swap3A = arith.constant 0 : index
    %swap3A_6 = arith.constant 0 : index
    %swap3A_7 = vector.load %arg2[%swap3A, %swap3A_6] : memref<10112x32xf32, #tpu.memory_space<vmem>>, vector<10000x32xf32>
    tpu.vector_store %arg2[%swap3A, %swap3A_6], %dot_general3A_5 {strides = array<i32>} : memref<10112x32xf32, #tpu.memory_space<vmem>>, vector<10000x32xf32>,
    return
  }
}

module attributes {stable_mosaic.version = 14 : i64} {
  func.func @_tail_body(%arg0: memref<10112x32xf32, #tpu.memory_space<vmem>>, %arg1: memref<2x10112x32xf32, #tpu.memory_space<vmem>>, %arg2: memref<1x10000xi32, #tpu.memory_space<vmem>>, %arg3: memref<32x32xf32, #tpu.memory_space<vmem>>, %arg4: memref<1x32xf32, #tpu.memory_space<vmem>>, %arg5: memref<32x2xf32, #tpu.memory_space<vmem>>, %arg6: memref<1x2xf32, #tpu.memory_space<vmem>>, %arg7: memref<1x32xf32, #tpu.memory_space<vmem>>, %arg8: memref<64x2xf32, #tpu.memory_space<vmem>>) attributes {dimension_semantics = [], scalar_prefetch = 0 : i64, scratch_operands = 0 : i64, tpu.core_type = #tpu.core_type<tc>} {
    %get3A = arith.constant 0 : index
    %get3A_0 = arith.constant 0 : index
    %get3A_1 = vector.load %arg0[%get3A, %get3A_0] : memref<10112x32xf32, #tpu.memory_space<vmem>>, vector<10000x32xf32>
    %get3A_2 = arith.constant 0 : index
    %get3A_3 = arith.constant 0 : index
    %get3A_4 = arith.constant 0 : index
    %get3A_5 = vector.load %arg1[%get3A_2, %get3A_3, %get3A_4] : memref<2x10112x32xf32, #tpu.memory_space<vmem>>, vector<1x10000x32xf32>
    %get3A_6 = vector.shape_cast %get3A_5 : vector<1x10000x32xf32> to vector<10000x32xf32>
    %get3A_7 = arith.constant 1 : index
    %get3A_8 = arith.constant 0 : index
    %get3A_9 = arith.constant 0 : index
    %get3A_10 = vector.load %arg1[%get3A_7, %get3A_8, %get3A_9] : memref<2x10112x32xf32, #tpu.memory_space<vmem>>, vector<1x10000x32xf32>
    %get3A_11 = vector.shape_cast %get3A_10 : vector<1x10000x32xf32> to vector<10000x32xf32>
    %add3A = arith.addf %get3A_1, %get3A_6 : vector<10000x32xf32>
    %add3A_12 = arith.addf %add3A, %get3A_11 : vector<10000x32xf32>
    %get3A_13 = arith.constant 0 : index
    %get3A_14 = arith.constant 0 : index
    %get3A_15 = vector.load %arg7[%get3A_13, %get3A_14] : memref<1x32xf32, #tpu.memory_space<vmem>>, vector<1x32xf32>
    %add3A_16 = vector.broadcast %get3A_15 : vector<1x32xf32> to vector<10000x32xf32>
    %add3A_17 = arith.addf %add3A_12, %add3A_16 : vector<10000x32xf32>
    %max3A = arith.constant 0.000000e+00 : f32
    %max3A_18 = vector.broadcast %max3A : f32 to vector<10000x32xf32>
    %max3A_19 = arith.maximumf %add3A_17, %max3A_18 : vector<10000x32xf32>
    %get3A_20 = arith.constant 0 : index
    %get3A_21 = arith.constant 0 : index
    %get3A_22 = vector.load %arg3[%get3A_20, %get3A_21] : memref<32x32xf32, #tpu.memory_space<vmem>>, vector<32x32xf32>
    %dot_general3A = arith.constant dense<0.000000e+00> : vector<10000x32xf32>
    %dot_general3A_23 = tpu.matmul %max3A_19, %get3A_22, %dot_general3A {dimension_numbers = #tpu.dot_dimension_numbers<[1], [0], [0], [1], [0, 0, 1, 1], [], []>, transpose_lhs_hint = false} : vector<10000x32xf32>, vector<32x32xf32>, vector<10000x32xf32> -> vector<10000x32xf32>
    %get3A_24 = arith.constant 0 : index
    %get3A_25 = arith.constant 0 : index
    %get3A_26 = vector.load %arg4[%get3A_24, %get3A_25] : memref<1x32xf32, #tpu.memory_space<vmem>>, vector<1x32xf32>
    %add3A_27 = vector.broadcast %get3A_26 : vector<1x32xf32> to vector<10000x32xf32>
    %add3A_28 = arith.addf %dot_general3A_23, %add3A_27 : vector<10000x32xf32>
    %max3A_29 = arith.constant 0.000000e+00 : f32
    %max3A_30 = vector.broadcast %max3A_29 : f32 to vector<10000x32xf32>
    %max3A_31 = arith.maximumf %add3A_28, %max3A_30 : vector<10000x32xf32>
    %iota3A = tpu.iota {dimensions = array<i32: 0>} : vector<64x10000xi32>
    %get3A_32 = arith.constant 0 : index
    %get3A_33 = arith.constant 0 : index
    %get3A_34 = vector.load %arg2[%get3A_32, %get3A_33] : memref<1x10000xi32, #tpu.memory_space<vmem>>, vector<1x10000xi32>
    %eq3A = vector.broadcast %get3A_34 : vector<1x10000xi32> to vector<64x10000xi32>
    %eq3A_35 = arith.cmpi eq, %iota3A, %eq3A : vector<64x10000xi32>
    %convert_element_type3A = arith.extui %eq3A_35 : vector<64x10000xi1> to vector<64x10000xi32>
    %convert_element_type3A_36 = arith.sitofp %convert_element_type3A : vector<64x10000xi32> to vector<64x10000xf32>
    %dot_general3A_37 = arith.constant dense<0.000000e+00> : vector<64x32xf32>
    %dot_general3A_38 = tpu.matmul %convert_element_type3A_36, %max3A_31, %dot_general3A_37 {dimension_numbers = #tpu.dot_dimension_numbers<[1], [0], [0], [1], [0, 0, 1, 1], [], []>, transpose_lhs_hint = false} : vector<64x10000xf32>, vector<10000x32xf32>, vector<64x32xf32> -> vector<64x32xf32>
    %reduce_sum3A = arith.constant dense<0.000000e+00> : vector<64xf32>
    %reduce_sum3A_39 = vector.multi_reduction <add>, %convert_element_type3A_36, %reduce_sum3A [1] : vector<64x10000xf32> to vector<64xf32>
    %broadcast_in_dim3A = vector.shape_cast %reduce_sum3A_39 : vector<64xf32> to vector<64x1xf32>
    %max3A_40 = arith.constant 1.000000e+00 : f32
    %max3A_41 = vector.broadcast %max3A_40 : f32 to vector<64x1xf32>
    %max3A_42 = arith.maximumf %broadcast_in_dim3A, %max3A_41 : vector<64x1xf32>
    %div3A = vector.broadcast %max3A_42 : vector<64x1xf32> to vector<64x32xf32>
    %div3A_43 = arith.divf %dot_general3A_38, %div3A : vector<64x32xf32>
    %get3A_44 = arith.constant 0 : index
    %get3A_45 = arith.constant 0 : index
    %get3A_46 = vector.load %arg5[%get3A_44, %get3A_45] : memref<32x2xf32, #tpu.memory_space<vmem>>, vector<32x2xf32>
    %dot_general3A_47 = arith.constant dense<0.000000e+00> : vector<64x2xf32>
    %dot_general3A_48 = tpu.matmul %div3A_43, %get3A_46, %dot_general3A_47 {dimension_numbers = #tpu.dot_dimension_numbers<[1], [0], [0], [1], [0, 0, 1, 1], [], []>, transpose_lhs_hint = false} : vector<64x32xf32>, vector<32x2xf32>, vector<64x2xf32> -> vector<64x2xf32>
    %get3A_49 = arith.constant 0 : index
    %get3A_50 = arith.constant 0 : index
    %get3A_51 = vector.load %arg6[%get3A_49, %get3A_50] : memref<1x2xf32, #tpu.memory_space<vmem>>, vector<1x2xf32>
    %add3A_52 = vector.broadcast %get3A_51 : vector<1x2xf32> to vector<64x2xf32>
    %add3A_53 = arith.addf %dot_general3A_48, %add3A_52 : vector<64x2xf32>
    %swap3A = arith.constant 0 : index
    %swap3A_54 = arith.constant 0 : index
    %swap3A_55 = vector.load %arg8[%swap3A, %swap3A_54] : memref<64x2xf32, #tpu.memory_space<vmem>>, vector<64x2xf32>
    tpu.vector_store %arg8[%swap3A, %swap3A_54], %add3A_53 {strides = array<i32>} : memref<64x2xf32, #tpu.memory_space<vmem>>, vector<64x2xf32>,
    return
  }
}

</mosaic_0001>

<sc_bundles>
// kernel: kernel.5.cloned.1.call-start
scs
__scs_entry_jumppad:
0x0: {  	(pc) =	sbr.rel $0x88, $3  }
0x1: {  	(tag) =	ssettag $0x0;
	lr =	simm.s32 $0x1  }
0x2: {  	[smem:$0x3F98] =	sst lr;
	_ =	strace $0xD0000000  }
0x3: {  	_ = 	snop  }
0x4: {  	_ = 	snop  }
0x5: {  	_ = 	snop  }
0x6: {  	_ = 	snop  }
0x7: {  	_ = 	snop  }
__scs_overlays_trampoline_lowered:
0x8: {  	[smem:$0x3FA7] =	sst s0  }
0x9: {  	[smem:$0x3FA8] =	sst s1  }
0xa: {  	[smem:$0x3FA9] =	sst s2  }
0xb: {  	[smem:$0x3FAA] =	sst s3  }
0xc: {  	[smem:$0x3FAB] =	sst s4  }
0xd: {  	[smem:$0x3FAC] =	sst s5  }
0xe: {  	[smem:$0x3FAD] =	sst s6  }
0xf: {  	[smem:$0x3FAE] =	sst s7  }
0x10: {  	[smem:$0x3FAF] =	sst s8  }
0x11: {  	[smem:$0x3FB0] =	sst s9;
	s0 =	simm.s32 @!p0 $0x0  }
0x12: {  	s1 =	sld [smem:$0x3F96];
	s0 =	simm.s32 @p0 $0x1  }
0x13: {  	[smem:$0x3FB1] =	sst s0;
	s0 =	simm.s32 @!p1 $0x0  }
0x14: {  	s2 =	sld [smem:$0x3F95];
	s0 =	simm.s32 @p1 $0x1  }
0x15: {  	[smem:$0x3FB2] =	sst s0;
	s0 =	simm.s32 @!p2 $0x0  }
0x16: {  	s3 =	sld [smem:$0x3FDB];
	s0 =	simm.s32 @p2 $0x1  }
0x17: {  	s4 =	simm.s32 $0x1BF5;
	[smem:$0x3FB4] =	sst s0  }
0x18: {  	s0 =	sld [smem:$0x3F97];
	_ =	swait.ge [sflag:s4], $0x0  }
0x19: {  	s7 =	sld [smem:$0x3F98]  }
0x1a: {  	s8 =	sadd.s32 $0xFFFFE003, lr  }
0x1b: {  	s9 =	sadd.s32 $0xFFFFFEF7, lr;
	s5 =	simm.s32 $0xFFFFFFFF;
	p2 =	slt.u32 s8, $0xFFFFF086  }
0x1c: {  	p1 =	slt.u32 s9, $0xF7A;
	s5 =	simm.s32 @!p2 $0x0  }
0x1d: {  	s5 =	simm.s32 @p1 $0x1;
	p0 =	seq.s32 s7, s2  }
0x1e: {  	s7 =	smul.u32 @!p0 $0xF7A, s2;
	p2 =	seq.s32 @!p0 s5, $0x0  }
0x1f: {  	s9 =	smul.u32 $0xF7A, s1;
	s8 =	simm.s32 @!p0 $0x1BF5;
	p2 =	por !p2, p0  }
0x20: {  	[sflag:s8] =	ssyncset.s32 @!p0 $0xFFFFF086;
	s6 =	sadd.s32 @!p0 s3, s7;
	s7 =	simm.s32 @!p0 $0x108  }
0x21: {  	s3 =	sadd.s32 s3, s9;
	s6 =	sadd.s32 @!p0 $0x88, s6;
	s7 =	simm.s32 @p2 $0x1082  }
0x22: {  	[simem:s7], [sflag:s8] =	dma.local @!p0 [hbm:s6], $0xF7A  }
0x23: {  	s9 =	sor.u32 $0xD0000000, s2;
	s6 =	simm.s32 $0x108;
	_ =	swait.ge @!p0 [sflag:s8], $0x0  }
0x24: {  	s3 =	sadd.s32 $0x88, s3;
	s6 =	simm.s32 @!p1 $0x1082;
	[sflag:s4] =	ssyncset.s32 $0xFFFFF086  }
0x25: {  	[simem:s6], [sflag:s4] =	dma.local [hbm:s3], $0xF7A  }
0x26: {  	[smem:$0x3F98] =	sst s1;
	(tag) =	ssettag s2;
	_ =	strace s9  }
0x27: {  	s1 =	sld [smem:$0x3FA8]  }
0x28: {  	s2 =	sld [smem:$0x3FA9]  }
0x29: {  	s4 =	sld [smem:$0x3FAB]  }
0x2a: {  	p0 =	seq.s32 s5, $0x0;
	s5 =	sld [smem:$0x3FAC]  }
0x2b: {  	s6 =	sld [smem:$0x3FAD]  }
0x2c: {  	s7 =	sld [smem:$0x3FAE]  }
0x2d: {  	s3 =	simm.s32 $0x108;
	s8 =	sld [smem:$0x3FAF]  }
0x2e: {  	s3 =	simm.s32 @!p0 $0x1082;
	s9 =	sld [smem:$0x3FB0]  }
0x2f: {  	lr =	sadd.s32 s0, s3;
	s0 =	sld [smem:$0x3FA7]  }
0x30: {  	s3 =	sld [smem:$0x3FAA]  }
0x31: {  	[smem:$0x3FB3] =	sst s10  }
0x32: {  	s10 =	sld [smem:$0x3FB1];
	_ =	sdelay $0x3  }
0x33: {  	p0 =	seq.s32 s10, $0x1;
	s10 =	sld [smem:$0x3FB3];
	_ =	sdelay $0x3  }
0x34: {  	[smem:$0x3FB3] =	sst s10  }
0x35: {  	s10 =	sld [smem:$0x3FB2];
	_ =	sdelay $0x3  }
0x36: {  	p1 =	seq.s32 s10, $0x1;
	s10 =	sld [smem:$0x3FB3];
	_ =	sdelay $0x3  }
0x37: {  	[smem:$0x3FB3] =	sst s10  }
0x38: {  	s10 =	sld [smem:$0x3FB4]  }
0x39: {  	_ = 	snop;
	(pc) =	sbr.ind lr, $3  }
0x3a: {  	_ = 	snop  }
0x3b: {  	_ = 	snop  }
0x3c: {  	p2 =	seq.s32 s10, $0x1;
	s10 =	sld [smem:$0x3FB3]  }
0x3d: {  	_ =	shalt  }
0x3e: {  	_ =	shalt  }
0x3f: {  	_ =	shalt  }
0x40: {  	_ =	shalt  }
0x41: {  	_ =	shalt  }
0x42: {  	_ =	shalt  }
0x43: {  	_ =	shalt  }
0x44: {  	_ =	shalt  }
0x45: {  	_ =	shalt  }
0x46: {  	_ =	shalt  }
0x47: {  	_ =	shalt  }
0x48: {  	_ =	shalt  }
0x49: {  	_ =	shalt  }
0x4a: {  	_ =	shalt  }
0x4b: {  	_ =	shalt  }
0x4c: {  	_ =	shalt  }
0x4d: {  	_ =	shalt  }
0x4e: {  	_ =	shalt  }
0x4f: {  	_ =	shalt  }
0x50: {  	_ =	shalt  }
0x51: {  	_ =	shalt  }
0x52: {  	_ =	shalt  }
0x53: {  	_ =	shalt  }
0x54: {  	_ =	shalt  }
0x55: {  	_ =	shalt  }
0x56: {  	_ =	shalt  }
0x57: {  	_ =	shalt  }
0x58: {  	_ =	shalt  }
0x59: {  	_ =	shalt  }
0x5a: {  	_ =	shalt  }
0x5b: {  	_ =	shalt  }
0x5c: {  	_ =	shalt  }
0x5d: {  	_ =	shalt  }
0x5e: {  	_ =	shalt  }
0x5f: {  	_ =	shalt  }
0x60: {  	_ =	shalt  }
0x61: {  	_ =	shalt  }
0x62: {  	_ =	shalt  }
0x63: {  	_ =	shalt  }
0x64: {  	_ =	shalt  }
0x65: {  	_ =	shalt  }
0x66: {  	_ =	shalt  }
0x67: {  	_ =	shalt  }
0x68: {  	_ =	shalt  }
0x69: {  	_ =	shalt  }
0x6a: {  	_ =	shalt  }
0x6b: {  	_ =	shalt  }
0x6c: {  	_ =	shalt  }
0x6d: {  	_ =	shalt  }
0x6e: {  	_ =	shalt  }
0x6f: {  	_ =	shalt  }
0x70: {  	_ =	shalt  }
0x71: {  	_ =	shalt  }
0x72: {  	_ =	shalt  }
0x73: {  	_ =	shalt  }
0x74: {  	_ =	shalt  }
0x75: {  	_ =	shalt  }
0x76: {  	_ =	shalt  }
0x77: {  	_ =	shalt  }
0x78: {  	_ =	shalt  }
0x79: {  	_ =	shalt  }
0x7a: {  	_ =	shalt  }
0x7b: {  	_ =	shalt  }
0x7c: {  	_ =	shalt  }
0x7d: {  	_ =	shalt  }
0x7e: {  	_ =	shalt  }
0x7f: {  	_ =	shalt  }
0x80: {  	_ =	shalt  }
0x81: {  	_ =	shalt  }
0x82: {  	_ =	shalt  }
0x83: {  	_ =	shalt  }
0x84: {  	_ =	shalt  }
0x85: {  	_ =	shalt  }
0x86: {  	_ =	shalt  }
0x87: {  	_ =	shalt  }
.Lfunc_end0:
.L_simem_size_0:
called_computation_lowered:
.L_overlay_start_0:
0x88: {  	s2 =	sld [smem:$0x3FD9]  }
0x89: {  	s3 =	sld [smem:$0x3FFE];
	_ =	sdelay $0x1  }
0x8a: {  	s1 =	srdreg.scid  }
0x8b: {  	s0 =	sand.u32 $0x1, s1  }
0x8c: {  	s16 =	sshll.u32 s0, $0xA;
	s2 =	sadd.s32 s3, s2  }
0x8d: {  	s2 =	sadd.s32 s2, s16  }
0x8e: {  	[smem:$0x3FBF] =	sst s2  }
0x8f: {  	_ = 	snop  }
0x90: {  	(tm) =	ssettm $0x1  }
0x91: {  	s17 =	sld [smem:$0x3FFB];
	_ =	sdelay $0x3  }
0x92: {  	_ =	strace s17  }
0x93: {  	s2 =	sld [smem:$0x3FFC];
	_ =	sdelay $0x3  }
0x94: {  	_ =	strace s2  }
0x95: {  	s2 =	sld [smem:$0x3FFD];
	_ =	sdelay $0x3  }
0x96: {  	_ =	strace s2  }
0x97: {  	_ =	strace $0x8FFFFFFF  }
0x98: {  	s18 =	sld [smem:$0x3FDB];
	_ =	sdelay $0x1  }
0x99: {  	s19 =	simm.s32 $_scs_section_size  }
0x9a: {  	s4 =	simm.s32 $_size__tile_overlayer_lowered;
	s5 =	simm.s32 $_tile_overlayer_lowered  }
0x9b: {  	s22 =	simm.s32 $0x1BFF;
	s21 =	sshll.u32 s5, $0x1;
	s2 =	sadd.s32 s19, s18  }
0x9c: {  	s6 =	simm.s32 $0x0;
	s20 =	sshll.u32 s4, $0x1;
	s4 =	sadd.s32 s21, s2  }
0x9d: {  	[timem:s6], [sflag:s22] =	dma.local [hbm:s4], s20  }
0x9e: {  	_ =	swait.ge [sflag:s22], s20  }
0x9f: {  	s3 =	ssub.s32 $0x0, s20;
	[sflag:s22] =	ssyncset.done $0x0  }
0xa0: {  	[sflag:s22] =	ssyncadd.s32 s3;
	_ =	sdelay $0x1  }
0xa1: {  	s23 =	simm.s32 $0x1B8B  }
0xa2: {  	_ =	swait.ge [sflag:s23], $0x1  }
0xa3: {  	[sflag:s23] =	ssyncset.done $0x0  }
0xa4: {  	s25 =	simm.s32 $0x1B8E;
	s24 =	sld [smem:$0x3FFE];
	[sflag:s23] =	ssyncadd.s32 $0xFFFFFFFF  }
0xa5: {  	s26 =	simm.s32 $execute0_lowered;
	[smem:$0x3FD2] =	sst s25  }
0xa6: {  	s4 =	sshll.u32 s26, $0x1;
	_ =	strace $0x80000046;
	[dreg:$0x1] =	wrdreg $0xFFFFFFFF  }
0xa7: {  	s28 =	simm.s32 $_size_execute0_lowered;
	s2 =	sadd.s32 s2, s4;
	[dreg:$0x0] =	wrdreg $0x0  }
0xa8: {  	s4 =	sshll.u32 s28, $0x1;
	[dreg:$0x2] =	wrdreg s2  }
0xa9: {  	[dreg:$0x3] =	wrdreg s4  }
0xaa: {  	[dreg:$0x4] =	wrdreg $0xC0  }
0xab: {  	_ =	task [dreg:s6], $0x5FFFF  }
0xac: {  	[dreg:$0x1] =	wrdreg $0xFFFFFFFF  }
0xad: {  	[dreg:$0x0] =	wrdreg $0x60  }
0xae: {  	[dreg:$0x2] =	wrdreg s24  }
0xaf: {  	[dreg:$0x3] =	wrdreg $0xDF000  }
0xb0: {  	[dreg:$0x4] =	wrdreg $0x12E000  }
0xb1: {  	[dreg:$0x5] =	wrdreg $0x9  }
0xb2: {  	_ =	task.clear_ibuf [dreg:s6], $0x6FFFF;
	_ =	strace $0x90000046  }
0xb3: {  	s29 =	simm.s32 $0x9;
	_ =	strace $0x80000048  }
0xb4: {  	_ =	swait.ge [sflag:s29], $0x1  }
0xb5: {  	[sflag:s29] =	ssyncadd.s32 $0xFFFFFFFF  }
0xb6: {  	_ =	strace $0x90000048  }
0xb7: {  	_ =	sfence  }
0xb8: {  	s30 =	sld [smem:$0x0];
	_ =	sdelay $0x2  }
0xb9: {  	s31 =	sshll.u32 s1, $0xD;
	s1 =	sshrl.u32 s1, $0x2  }
0xba: {  	s3 =	sand.u32 $0x4000, s31;
	s1 =	sadd.s32 s1, s30  }
0xbb: {  	s0 =	sor.u32 s3, s0;
	s1 =	sshll.u32 s1, $0x11  }
0xbc: {  	s0 =	sor.u32 s1, s0  }
0xbd: {  	s0 =	sadd.s32 $0x8F2B, s0  }
0xbe: {  	[sflag:s0] =	ssyncadd.remote.s32 $0x1  }
0xbf: {  	_ =	sfence.sel $0xFFFF  }
0xc0: {  	[dreg:$0x0] =	wrdreg $0xFFFFFFFF;
	(pc) =	sbr.abs _section_cstart, $3  }
0xc1: {  	[dreg:$0x1] =	wrdreg $0xFFFFFFFF  }
0xc2: {  	_ =	task.clear_ibuf [dreg:s6], $0x2FFFF;
	_ =	strace $0x9FFFFFFF  }
0xc3: {  	(tm) =	ssettm $0x7FFFFFFF  }
tec
execute0_lowered:
.L_overlay_start_1:
0x0: {  	(tag) =	ssettag $0x1  }
0x1: {  	s0 =	rddreg [dreg:$0x0];
	s16 =	stileid.u32  }
0x2: {  	s1 =	srdreg.scid;
	s2 =	rddreg [dreg:$0x1]  }
0x3: {  	s3 =	rddreg [dreg:$0x2];
	s11 =	simm.s32 $0x50;
	s15 =	simm.s32 $0x5  }
0x4: {  	s19 =	simm.s32 $0x80;
	s20 =	simm.s32 $0x5000;
	s21 =	simm.s32 $0x6000  }
0x5: {  	s23 =	simm.s32 $0x7000;
	s28 =	simm.s32 $0x2;
	s29 =	simm.s32 $0x3  }
0x6: {  	s30 =	simm.s32 $0x4;
	s31 =	simm.s32 $0x0;
	s1 =	sand.u32 $0x1, s1  }
0x7: {  	s4 =	sshll.u32 s16, $0x1;
	s6 =	smul.u32 $0x4F00, s16;
	s26 =	sshll.u32 s16, $0x6  }
0x8: {  	s14 =	sor.u32 s1, s4;
	s4 =	simm.s32 $0x0;
	s7 =	smul.u32 $0x4F000, s1  }
0x9: {  	s1 =	ssub.s32 $0x2, s1;
	s16 =	sor.u32 $0x1C05, s26;
	s26 =	simm.s32 $0x1  }
0xa: {  	s5 =	smul.u32 $0x13, s14;
	[smem:$0x7FF] =	sst s4;
	s8 =	sshrl.u32 s6, $0x3  }
0xb: {  	s9 =	smin.u32 s14, $0x11;
	s24 =	sshrl.u32 s1, $0x1;
	p0 =	slt.u32 s14, $0x11  }
0xc: {  	s17 =	sadd.s32 s6, s3;
	_ =	strace $0x80000047;
	s8 =	sadd.s32 s8, s0  }
0xd: {  	s7 =	sadd.s32 s6, s7;
	s1 =	ssub.s32 s1, s24;
	s11 =	simm.s32 @!p0 $0x4C  }
0xe: {  	p0 =	sgt.u32 s14, $0x10;
	s17 =	sshrl.u32 s17, $0x3;
	s24 =	simm.s32 $0x180  }
0xf: {  	s5 =	sadd.s32 s9, s5;
	s7 =	sshrl.u32 s7, $0x3;
	s13 =	sshll.u32 s11, $0x9  }
0x10: {  	s11 =	sadd.s32 $0xFFFFFFFF, s11;
	s5 =	sshll.u32 s5, $0x6;
	s25 =	sadd.s32 $0xFFFFF000, s13  }
0x11: {  	s13 =	smax.u32 s1, $0x1;
	s10 =	sadd.s32 s5, s0;
	s0 =	sadd.s32 s7, s0  }
0x12: {  	s5 =	sadd.s32 s6, s2;
	s6 =	sadd.s32 $0x1400, s8;
	[dreg:$0x4] =	wrdreg s25  }
0x13: {  	s25 =	simm.s32 $0x8000;
	s7 =	sadd.s32 $0xB200, s10;
	s8 =	sadd.s32 $0x14E40, s10  }
0x14: {  	v0 =	vimm.f32 $0.0e+00;
	s9 =	sadd.s32 $0xB6C0, s10;
	s10 =	sadd.s32 $0x15300, s10;
	s12 =	sadd.s32 $0x1EC00, s0  }
.LBB2_1:
0x15: {  	s0 =	simm.s32 $0x80;
	s1 =	simm.s32 $0x0  }
.LBB2_2:
0x16: {  	p1 =	sne.s32 s0, $0x13B80;
	[tilespmem:s1+$0x9000] =	vst v0;
	s14 =	smov.u32 s0;
	s0 =	sadd.s32 $0x80, s0  }
.Ltmp0:
0x17: {  	[tilespmem:s1+$0x9010] =	vst v0;
	(pc) =	sbr.rel @p1 .LBB2_2-.Ltmp0, $2  }
0x18: {  	_ =	sdelay $0x2  }
0x19: {  	s1 =	sshra.s32 s14, $0x2  }
0x1a: {  	[tilespmem:s1+$0x9000] =	vst v0  }
0x1b: {  	[tilespmem:s1+$0x9010] =	vst v0;
	s0 =	simm.s32 $0x9000  }
0x1c: {  	[spmem:s5] =	stream.linear.scatter [tilespmem:s0], [sflag:$0x5], $0x4F00, $0x38;
	[tilespmem:$0x17D00] =	vst v63  }
0x1d: {  	_ =	swait.ge [sflag:s15], $0x4F00  }
0x1e: {  	[sflag:s15] =	ssyncset.done $0x0  }
0x1f: {  	[sflag:s15] =	ssyncadd.s32 $0xFFFFB100  }
0x20: {  	[spmem:s17], [sflag:s16] =	dma.local [hbm:s6], $0x9E0  }
0x21: {  	_ =	swait.ge [sflag:s15], $0x9E0  }
0x22: {  	[sflag:s15] =	ssyncset.done $0x0  }
0x23: {  	[sflag:s15] =	ssyncadd.s32 $0xFFFFF620  }
0x24: {  	[tilespmem:s4], [sflag:$0x5] =	stream.linear.gather [hbm4b:s7+s4], $0x2600, $0x38;
	[tilespmem:$0x17D00] =	vst v63  }
0x25: {  	_ =	swait.ge [sflag:s15], $0x2600  }
0x26: {  	[sflag:s15] =	ssyncset.done $0x0  }
0x27: {  	s18 =	simm.s32 $0x2800;
	[sflag:s15] =	ssyncadd.s32 $0xFFFFDA00  }
0x28: {  	[tilespmem:s18], [sflag:$0x5] =	stream.linear.gather [hbm4b:s8+s4], $0x2600, $0x38;
	[tilespmem:$0x17D00] =	vst v63  }
0x29: {  	_ =	swait.ge [sflag:s15], $0x2600  }
0x2a: {  	[sflag:s15] =	ssyncset.done $0x0  }
0x2b: {  	s1 =	simm.s32 @!p0 $0x2600;
	s0 =	simm.s32 @!p0 $0x0;
	[sflag:s15] =	ssyncadd.s32 $0xFFFFDA00  }
0x2c: {  	[tilespmem:s1], [sflag:$0x5] =	stream.linear.gather @!p0 [hbm4b:s9+s0], $0x200, $0x38;
	[tilespmem:$0x17D00] =	vst v63  }
0x2d: {  	s1 =	simm.s32 @!p0 $0x5  }
0x2e: {  	_ =	swait.ge @!p0 [sflag:s1], $0x200  }
0x2f: {  	[sflag:s1] =	ssyncset.done @!p0 $0x0  }
0x30: {  	s14 =	simm.s32 @!p0 $0x4E00;
	[sflag:s1] =	ssyncadd.s32 @!p0 $0xFFFFFE00  }
0x31: {  	[tilespmem:s14], [sflag:$0x5] =	stream.linear.gather @!p0 [hbm4b:s10+s0], $0x200, $0x38;
	[tilespmem:$0x17D00] =	vst v63  }
0x32: {  	_ =	swait.ge @!p0 [sflag:s1], $0x200  }
0x33: {  	[sflag:s1] =	ssyncset.done @!p0 $0x0  }
0x34: {  	[sflag:s1] =	ssyncadd.s32 @!p0 $0xFFFFFE00  }
0x35: {  	s14 =	simm.s32 $0x0;
	[bflag:$0x0] =	sbarrier.arrive $0xFFFF  }
0x36: {  	[tilespmem:s20], [sflag:$0x1] =	stream.indirect.gather [spmem:s3], $0x20, s14, s19, $0xb8;
	[tilespmem:$0x17D00] =	vst v63  }
0x37: {  	_ = 	snop  }
0x38: {  	[tilespmem:s21], [sflag:$0x2] =	stream.indirect.gather [spmem:s3], $0x20, s19, s19, $0xb8;
	[tilespmem:$0x17D00] =	vst v63  }
0x39: {  	s22 =	simm.s32 $0x100  }
0x3a: {  	[tilespmem:s23], [sflag:$0x3] =	stream.indirect.gather [spmem:s3], $0x20, s22, s19, $0xb8;
	[tilespmem:$0x17D00] =	vst v63  }
0x3b: {  	s0 =	simm.s32 $0xB  }
0x3c: {  	[tilespmem:s25], [sflag:$0x4] =	stream.indirect.gather [spmem:s3], $0x20, s24, s19, $0xb8;
	[tilespmem:$0x17D00] =	vst v63  }
.LBB2_4:
0x3d: {  	_ =	swait.ge [sflag:s26], $0x1000  }
0x3e: {  	s18 =	sshra.s32 s14, $0x2;
	s1 =	smov.u32 s0;
	[sflag:s26] =	ssyncset.done $0x0  }
0x3f: {  	s0 =	sadd.s32 $0xFFFFFFF9, s0;
	s22 =	sadd.s32 $0x2800, s18;
	[sflag:s26] =	ssyncadd.s32 $0xFFFFF000  }
0x40: {  	[spmem:s2] =	stream.indirect.scatter.add.f32 [tilespmem:s20], [sflag:$0x5], $0x20, s22, s19, $0xb8;
	[tilespmem:$0x17D00] =	vst v63  }
0x41: {  	p1 =	slt.s32 s0, s11;
	s22 =	smov.u32 s11  }
0x42: {  	_ =	swait.ge [sflag:s15], $0x1000;
	s22 =	smov.u32 @p1 s0  }
0x43: {  	[sflag:s15] =	ssyncset.done $0x0;
	s0 =	sshll.u32 s22, $0x9  }
0x44: {  	[sflag:s15] =	ssyncadd.s32 $0xFFFFF000;
	s0 =	sshra.s32 s0, $0x2  }
0x45: {  	[tilespmem:s20], [sflag:$0x1] =	stream.indirect.gather [spmem:s3], $0x20, s0, s19, $0xb8;
	[tilespmem:$0x17D00] =	vst v63  }
0x46: {  	_ =	swait.ge [sflag:s28], $0x1000  }
0x47: {  	[sflag:s28] =	ssyncset.done $0x0  }
0x48: {  	s22 =	sadd.s32 $0x2880, s18;
	s0 =	sadd.s32 $0xFFFFFFFA, s1;
	[sflag:s28] =	ssyncadd.s32 $0xFFFFF000  }
0x49: {  	[spmem:s2] =	stream.indirect.scatter.add.f32 [tilespmem:s21], [sflag:$0x5], $0x20, s22, s19, $0xb8;
	[tilespmem:$0x17D00] =	vst v63  }
0x4a: {  	p1 =	slt.s32 s0, s11;
	s22 =	smov.u32 s11  }
0x4b: {  	_ =	swait.ge [sflag:s15], $0x1000;
	s22 =	smov.u32 @p1 s0  }
0x4c: {  	[sflag:s15] =	ssyncset.done $0x0;
	s0 =	sshll.u32 s22, $0x9  }
0x4d: {  	[sflag:s15] =	ssyncadd.s32 $0xFFFFF000;
	s0 =	sshra.s32 s0, $0x2  }
0x4e: {  	[tilespmem:s21], [sflag:$0x2] =	stream.indirect.gather [spmem:s3], $0x20, s0, s19, $0xb8;
	[tilespmem:$0x17D00] =	vst v63  }
0x4f: {  	_ =	swait.ge [sflag:s29], $0x1000  }
0x50: {  	[sflag:s29] =	ssyncset.done $0x0  }
0x51: {  	s22 =	sadd.s32 $0x2900, s18;
	s0 =	sadd.s32 $0xFFFFFFFB, s1;
	[sflag:s29] =	ssyncadd.s32 $0xFFFFF000  }
0x52: {  	[spmem:s2] =	stream.indirect.scatter.add.f32 [tilespmem:s23], [sflag:$0x5], $0x20, s22, s19, $0xb8;
	[tilespmem:$0x17D00] =	vst v63  }
0x53: {  	p1 =	slt.s32 s0, s11;
	s22 =	smov.u32 s11  }
0x54: {  	_ =	swait.ge [sflag:s15], $0x1000;
	s22 =	smov.u32 @p1 s0  }
0x55: {  	[sflag:s15] =	ssyncset.done $0x0;
	s0 =	sshll.u32 s22, $0x9  }
0x56: {  	[sflag:s15] =	ssyncadd.s32 $0xFFFFF000;
	s0 =	sshra.s32 s0, $0x2  }
0x57: {  	[tilespmem:s23], [sflag:$0x3] =	stream.indirect.gather [spmem:s3], $0x20, s0, s19, $0xb8;
	[tilespmem:$0x17D00] =	vst v63  }
0x58: {  	_ =	swait.ge [sflag:s30], $0x1000  }
0x59: {  	[sflag:s30] =	ssyncset.done $0x0  }
0x5a: {  	s18 =	sadd.s32 $0x2980, s18;
	[sflag:s30] =	ssyncadd.s32 $0xFFFFF000  }
0x5b: {  	[spmem:s2] =	stream.indirect.scatter.add.f32 [tilespmem:s25], [sflag:$0x5], $0x20, s18, s19, $0xb8;
	[tilespmem:$0x17D00] =	vst v63  }
0x5c: {  	s14 =	sadd.s32 $0x800, s14;
	s0 =	sadd.s32 $0xFFFFFFFC, s1;
	_ =	swait.ge [sflag:s15], $0x1000  }
0x5d: {  	p1 =	slt.s32 s0, s11;
	s18 =	smov.u32 s11;
	s22 =	rddreg [dreg:$0x4]  }
0x5e: {  	s18 =	smov.u32 @p1 s0;
	p1 =	sne.s32 s22, s14  }
.Ltmp1:
0x5f: {  	_ = 	snop;
	(pc) =	sbr.rel @p1 .LBB2_4-.Ltmp1, $4  }
0x60: {  	[sflag:s15] =	ssyncset.done $0x0;
	s0 =	sshll.u32 s18, $0x9  }
0x61: {  	[sflag:s15] =	ssyncadd.s32 $0xFFFFF000;
	s0 =	sshra.s32 s0, $0x2  }
0x62: {  	[tilespmem:s25], [sflag:$0x4] =	stream.indirect.gather [spmem:s3], $0x20, s0, s19, $0xb8;
	[tilespmem:$0x17D00] =	vst v63  }
0x63: {  	s0 =	sadd.s32 $0x4, s1  }
0x64: {  	_ =	swait.ge [sflag:s26], $0x1000  }
0x65: {  	s14 =	sshra.s32 s14, $0x2;
	[sflag:s26] =	ssyncset.done $0x0  }
0x66: {  	s18 =	sadd.s32 $0x2800, s14;
	[sflag:s26] =	ssyncadd.s32 $0xFFFFF000  }
0x67: {  	[spmem:s2] =	stream.indirect.scatter.add.f32 [tilespmem:s20], [sflag:$0x5], $0x20, s18, s19, $0xb8;
	[tilespmem:$0x17D00] =	vst v63  }
0x68: {  	s18 =	sadd.s32 $0xFFFFFFF9, s0  }
0x69: {  	s22 =	smov.u32 s11;
	p1 =	slt.s32 s18, s11  }
0x6a: {  	_ =	swait.ge [sflag:s15], $0x1000;
	s22 =	smov.u32 @p1 s18  }
0x6b: {  	[sflag:s15] =	ssyncset.done $0x0;
	s18 =	sshll.u32 s22, $0x9  }
0x6c: {  	[sflag:s15] =	ssyncadd.s32 $0xFFFFF000;
	s18 =	sshra.s32 s18, $0x2  }
0x6d: {  	[tilespmem:s20], [sflag:$0x1] =	stream.indirect.gather [spmem:s3], $0x20, s18, s19, $0xb8;
	[tilespmem:$0x17D00] =	vst v63  }
0x6e: {  	_ =	swait.ge [sflag:s28], $0x1000  }
0x6f: {  	[sflag:s28] =	ssyncset.done $0x0  }
0x70: {  	s22 =	sadd.s32 $0x2880, s14;
	s18 =	sadd.s32 $0xFFFFFFFA, s0;
	[sflag:s28] =	ssyncadd.s32 $0xFFFFF000  }
0x71: {  	[spmem:s2] =	stream.indirect.scatter.add.f32 [tilespmem:s21], [sflag:$0x5], $0x20, s22, s19, $0xb8;
	[tilespmem:$0x17D00] =	vst v63  }
0x72: {  	p1 =	slt.s32 s18, s11;
	s22 =	smov.u32 s11  }
0x73: {  	_ =	swait.ge [sflag:s15], $0x1000;
	s22 =	smov.u32 @p1 s18  }
0x74: {  	[sflag:s15] =	ssyncset.done $0x0;
	s18 =	sshll.u32 s22, $0x9  }
0x75: {  	[sflag:s15] =	ssyncadd.s32 $0xFFFFF000;
	s18 =	sshra.s32 s18, $0x2  }
0x76: {  	[tilespmem:s21], [sflag:$0x2] =	stream.indirect.gather [spmem:s3], $0x20, s18, s19, $0xb8;
	[tilespmem:$0x17D00] =	vst v63  }
0x77: {  	_ =	swait.ge [sflag:s29], $0x1000  }
0x78: {  	[sflag:s29] =	ssyncset.done $0x0  }
0x79: {  	s22 =	sadd.s32 $0x2900, s14;
	s18 =	sadd.s32 $0xFFFFFFFB, s0;
	[sflag:s29] =	ssyncadd.s32 $0xFFFFF000  }
0x7a: {  	[spmem:s2] =	stream.indirect.scatter.add.f32 [tilespmem:s23], [sflag:$0x5], $0x20, s22, s19, $0xb8;
	[tilespmem:$0x17D00] =	vst v63  }
0x7b: {  	p1 =	slt.s32 s18, s11;
	s22 =	smov.u32 s11  }
0x7c: {  	_ =	swait.ge [sflag:s15], $0x1000;
	s22 =	smov.u32 @p1 s18  }
0x7d: {  	[sflag:s15] =	ssyncset.done $0x0;
	s18 =	sshll.u32 s22, $0x9  }
0x7e: {  	[sflag:s15] =	ssyncadd.s32 $0xFFFFF000;
	s18 =	sshra.s32 s18, $0x2  }
0x7f: {  	[tilespmem:s23], [sflag:$0x3] =	stream.indirect.gather [spmem:s3], $0x20, s18, s19, $0xb8;
	[tilespmem:$0x17D00] =	vst v63  }
0x80: {  	_ =	swait.ge [sflag:s30], $0x1000  }
0x81: {  	p1 =	slt.s32 s1, s11;
	[sflag:s30] =	ssyncset.done $0x0  }
0x82: {  	s22 =	sadd.s32 $0x2980, s14;
	s18 =	smov.u32 s11;
	[sflag:s30] =	ssyncadd.s32 $0xFFFFF000  }
0x83: {  	[spmem:s2] =	stream.indirect.scatter.add.f32 [tilespmem:s25], [sflag:$0x5], $0x20, s22, s19, $0xb8;
	[tilespmem:$0x17D00] =	vst v63  }
0x84: {  	s18 =	smov.u32 @p1 s1;
	_ =	swait.ge [sflag:s15], $0x1000  }
0x85: {  	s1 =	sshll.u32 s18, $0x9;
	[sflag:s15] =	ssyncset.done $0x0  }
0x86: {  	s1 =	sshra.s32 s1, $0x2;
	[sflag:s15] =	ssyncadd.s32 $0xFFFFF000  }
0x87: {  	[tilespmem:s25], [sflag:$0x4] =	stream.indirect.gather [spmem:s3], $0x20, s1, s19, $0xb8;
	[tilespmem:$0x17D00] =	vst v63  }
0x88: {  	_ =	swait.ge [sflag:s26], $0x1000  }
0x89: {  	s18 =	smov.u32 s11;
	s1 =	sadd.s32 $0xFFFFFFFD, s0;
	[sflag:s26] =	ssyncset.done $0x0  }
0x8a: {  	s22 =	sadd.s32 $0x2A00, s14;
	p1 =	slt.s32 s1, s11;
	[sflag:s26] =	ssyncadd.s32 $0xFFFFF000  }
0x8b: {  	[spmem:s2] =	stream.indirect.scatter.add.f32 [tilespmem:s20], [sflag:$0x5], $0x20, s22, s19, $0xb8;
	[tilespmem:$0x17D00] =	vst v63  }
0x8c: {  	s18 =	smov.u32 @p1 s1;
	_ =	swait.ge [sflag:s15], $0x1000  }
0x8d: {  	s1 =	sshll.u32 s18, $0x7;
	[sflag:s15] =	ssyncset.done $0x0  }
0x8e: {  	s1 =	sand.u32 $0x3FFFFF80, s1;
	[sflag:s15] =	ssyncadd.s32 $0xFFFFF000  }
0x8f: {  	[tilespmem:s20], [sflag:$0x1] =	stream.indirect.gather [spmem:s3], $0x20, s1, s19, $0xb8;
	[tilespmem:$0x17D00] =	vst v63  }
0x90: {  	_ =	swait.ge [sflag:s28], $0x1000  }
0x91: {  	[sflag:s28] =	ssyncset.done $0x0  }
0x92: {  	s18 =	sadd.s32 $0x2A80, s14;
	s1 =	sadd.s32 $0xFFFFFFFE, s0;
	[sflag:s28] =	ssyncadd.s32 $0xFFFFF000  }
0x93: {  	[spmem:s2] =	stream.indirect.scatter.add.f32 [tilespmem:s21], [sflag:$0x5], $0x20, s18, s19, $0xb8;
	[tilespmem:$0x17D00] =	vst v63  }
0x94: {  	p1 =	slt.s32 s1, s11;
	s18 =	smov.u32 s11  }
0x95: {  	_ =	swait.ge [sflag:s15], $0x1000;
	s18 =	smov.u32 @p1 s1  }
0x96: {  	[sflag:s15] =	ssyncset.done $0x0;
	s1 =	sshll.u32 s18, $0x7  }
0x97: {  	[sflag:s15] =	ssyncadd.s32 $0xFFFFF000;
	s1 =	sand.u32 $0x3FFFFF80, s1  }
0x98: {  	[tilespmem:s21], [sflag:$0x2] =	stream.indirect.gather [spmem:s3], $0x20, s1, s19, $0xb8;
	[tilespmem:$0x17D00] =	vst v63  }
0x99: {  	_ =	swait.ge [sflag:s29], $0x1000  }
0x9a: {  	s22 =	sadd.s32 $0x2B00, s14;
	s1 =	sadd.s32 $0xFFFFFFFF, s0;
	[sflag:s29] =	ssyncset.done $0x0  }
0x9b: {  	s18 =	smov.u32 s11;
	p1 =	slt.s32 s1, s11;
	[sflag:s29] =	ssyncadd.s32 $0xFFFFF000  }
0x9c: {  	[spmem:s2] =	stream.indirect.scatter.add.f32 [tilespmem:s23], [sflag:$0x5], $0x20, s22, s19, $0xb8;
	[tilespmem:$0x17D00] =	vst v63  }
0x9d: {  	s18 =	smov.u32 @p1 s1;
	_ =	swait.ge [sflag:s15], $0x1000  }
0x9e: {  	s1 =	sshll.u32 s18, $0x7;
	[sflag:s15] =	ssyncset.done $0x0  }
0x9f: {  	s1 =	sand.u32 $0x3FFFFF80, s1;
	[sflag:s15] =	ssyncadd.s32 $0xFFFFF000  }
0xa0: {  	[tilespmem:s23], [sflag:$0x3] =	stream.indirect.gather [spmem:s3], $0x20, s1, s19, $0xb8;
	[tilespmem:$0x17D00] =	vst v63  }
0xa1: {  	_ =	swait.ge [sflag:s30], $0x1000  }
0xa2: {  	p1 =	slt.s32 s0, s11;
	[sflag:s30] =	ssyncset.done $0x0  }
0xa3: {  	s18 =	sadd.s32 $0x2B80, s14;
	s1 =	smov.u32 s11;
	[sflag:s30] =	ssyncadd.s32 $0xFFFFF000  }
0xa4: {  	[spmem:s2] =	stream.indirect.scatter.add.f32 [tilespmem:s25], [sflag:$0x5], $0x20, s18, s19, $0xb8;
	[tilespmem:$0x17D00] =	vst v63  }
0xa5: {  	s1 =	smov.u32 @p1 s0;
	_ =	swait.ge [sflag:s15], $0x1000  }
0xa6: {  	s0 =	sshll.u32 s1, $0x7;
	[sflag:s15] =	ssyncset.done $0x0  }
0xa7: {  	s0 =	sand.u32 $0x3FFFFF80, s0;
	[sflag:s15] =	ssyncadd.s32 $0xFFFFF000  }
0xa8: {  	[tilespmem:s25], [sflag:$0x4] =	stream.indirect.gather [spmem:s3], $0x20, s0, s19, $0xb8;
	[tilespmem:$0x17D00] =	vst v63  }
0xa9: {  	_ =	swait.ge [sflag:s26], $0x1000  }
0xaa: {  	[sflag:s26] =	ssyncset.done $0x0  }
0xab: {  	[sflag:s26] =	ssyncadd.s32 $0xFFFFF000  }
0xac: {  	_ =	swait.ge [sflag:s28], $0x1000  }
0xad: {  	[sflag:s28] =	ssyncset.done $0x0  }
0xae: {  	[sflag:s28] =	ssyncadd.s32 $0xFFFFF000  }
0xaf: {  	_ =	swait.ge [sflag:s29], $0x1000  }
0xb0: {  	[sflag:s29] =	ssyncset.done $0x0  }
0xb1: {  	[sflag:s29] =	ssyncadd.s32 $0xFFFFF000  }
0xb2: {  	_ =	swait.ge [sflag:s30], $0x1000  }
0xb3: {  	s31 =	sadd.s32 $0x1, s31;
	[sflag:s30] =	ssyncset.done $0x0  }
0xb4: {  	p1 =	sne.s32 s31, s13;
	[sflag:s30] =	ssyncadd.s32 $0xFFFFF000  }
.Ltmp2:
0xb5: {  	s22 =	sshrl.u32 s5, $0x3;
	[bflag:$0x0] =	sbarrier.arrive $0xFFFF;
	(pc) =	sbr.rel @p1 .LBB2_1-.Ltmp2, $4  }
0xb6: {  	[hbm:s12], [sflag:s16] =	dma.local [spmem:s22], $0x9E0  }
0xb7: {  	_ =	swait.ge [sflag:s15], $0x9E0  }
0xb8: {  	[sflag:s15] =	ssyncset.done $0x0  }
0xb9: {  	[sflag:s15] =	ssyncadd.s32 $0xFFFFF620  }
0xba: {  	_ =	sfence.sel $0x180000  }
0xbb: {  	[bflag:$0x0] =	sbarrier.arrive $0xFFFF  }
0xbc: {  	_ =	strace $0x90000047  }
0xbd: {  	s0 =	stileid.u32;
	[bflag:$0x2] =	sbarrier.arrive $0xFFFF  }
0xbe: {  	p0 =	sne.s32 s0, $0x0;
	s0 =	rddreg [dreg:$0x3]  }
0xbf: {  	s0 =	sadd.s32 @!p0 $0x100000, s0  }
0xc0: {  	[sflag:s0] =	ssyncadd.tile.s32 @!p0 $0x1;
	_ =	shalt  }
.Lfunc_end2:
_tile_overlayer_lowered:
.L_overlay_start_2:
0xc1: {  	(tag) =	ssettag $0x2  }
0xc2: {  	s0 =	rddreg [dreg:$0x0];
	s2 =	stileid.u32  }
0xc3: {  	s1 =	rddreg [dreg:$0x1];
	p0 =	sne.s32 s2, $0x0  }
0xc4: {  	s3 =	rddreg [dreg:$0x2];
	[bflag:$0x3] =	sbarrier.arrive $0xFFFF;
	s2 =	simm.s32 @!p0 $0x1C05  }
0xc5: {  	[timem:s3], [sflag:s2] =	dma.local @!p0 [hbm:s0], s1  }
0xc6: {  	s0 =	simm.s32 @!p0 $0x5  }
0xc7: {  	_ =	swait.ge @!p0 [sflag:s0], s1  }
0xc8: {  	s1 =	ssub.s32 @!p0 $0x0, s1;
	[sflag:s0] =	ssyncset.done @!p0 $0x0  }
0xc9: {  	[sflag:s0] =	ssyncadd.s32 @!p0 s1  }
0xca: {  	[bflag:$0x3] =	sbarrier.arrive $0xFFFF  }
0xcb: {  	_ =	shalt  }

</sc_bundles>
